<compile_context>
chip_gen: v7x
topology: tpu7x:2x2x1
jax: 0.10.2.dev20260603
libtpu: 0.0.44.dev20260713+nightly
codegen_flags: <defaults>
</compile_context>

<pallas_src>
import functools

import jax
import jax.numpy as jnp
from jax import lax
from jax.experimental import pallas as pl
from jax.experimental.pallas import tpu as pltpu
from jax.experimental.pallas import tpu_sc as plsc

_NUM_WORKERS = 32
_LANES = 16


@functools.lru_cache(maxsize=None)
def _make_sc_gather(batch: int, rdim: int, cols: int, nidx: int):
    assert (batch, rdim, cols, nidx) == (4, 4096, 2048, 2), "offset math is shape-specialized"
    total = batch * rdim * nidx
    per_w = total // _NUM_WORKERS
    pr = per_w // 128
    steps = per_w // _LANES
    row_stride = 8 * cols

    mesh = plsc.VectorSubcoreMesh(core_axis_name="c", subcore_axis_name="s")

    @functools.partial(
        pl.kernel,
        out_type=jax.ShapeDtypeStruct((_NUM_WORKERS, pr, 128), jnp.float32),
        mesh=mesh,
        scratch_types=[
            pltpu.VMEM((_LANES,), jnp.int32),
            pltpu.VMEM((pr, 128), jnp.int32),
            pltpu.VMEM((pr, 128), jnp.float32),
            pltpu.SemaphoreType.DMA,
        ],
    )
    def sc_gather(inp_hbm, idx_hbm, out_hbm, pat_v, idx_v, gat_v, sem):
        wid = lax.axis_index("s") * 2 + lax.axis_index("c")
        pltpu.sync_copy(idx_hbm, pat_v.at[pl.ds(0, nidx)])
        v = pat_v[...]
        cphys = ((v >> 7) << 10) + (v & 127)
        lane = lax.iota(jnp.int32, _LANES)
        lane_vec = jnp.right_shift(lane, 3) * row_stride + (lane & 7) * 128
        w_base = ((wid >> 3) * (rdim // 8) + (wid & 7) * 64) * row_stride
        dnums = lax.GatherDimensionNumbers(
            offset_dims=(), collapsed_slice_dims=(0,), start_index_map=(0,)
        )
        base = [
            lax.gather(
                cphys,
                jnp.full((_LANES, 1), j, jnp.int32),
                dnums,
                slice_sizes=(1,),
                mode=lax.GatherScatterMode.PROMISE_IN_BOUNDS,
            )
            + lane_vec + w_base
            for j in range(nidx)
        ]
        copies = []
        for rt_lo in range(steps // 16):
            for j in range(nidx):
                r = rt_lo * nidx + j
                for k in range(8):
                    idx_v[r, pl.ds(k * _LANES, _LANES)] = (
                        base[j] + (rt_lo * 16 + k * 2) * row_stride
                    )
                copies.append(
                    pltpu.async_copy(inp_hbm.at[idx_v.at[r]], gat_v.at[r], sem)
                )
        for c in copies:
            c.wait()
        pltpu.sync_copy(gat_v, out_hbm.at[wid])

    return sc_gather


def kernel(input, indices):
    b, r, cols = input.shape
    (nidx,) = indices.shape
    rows = b * r
    x = input.reshape(rows // 8, 8, cols // 128, 128).transpose(0, 2, 1, 3)
    out = _make_sc_gather(b, r, cols, nidx)(
        x.reshape(-1), indices.astype(jnp.int32)
    )
    o4 = out.reshape(b, r // 128, nidx, 128)
    return o4.transpose(0, 1, 3, 2).reshape(b, r, nidx)

# --- scband reference (transcript-rebuilt; emitter-appended) ---
"""Pipeline reference for scband-index-select-dynamic-input-size-module-1082331759288 (READ-ONLY COPY).

The authoritative reference and input builder live on the scoring server;
editing this copy changes nothing except your own understanding.
"""

import jax, jax.numpy as jnp
import numpy as np


def setup_inputs(seed: int = 0) -> dict:
    key = jax.random.key(seed)
    k1, k2 = jax.random.split(key)
    input = jax.random.normal(k1, (4, 4096, 2048), dtype=jnp.float32)
    indices = jax.random.randint(k2, (2,), 0, 2048, dtype=jnp.int64)
    return {"input": input, "indices": indices}


def reference(input, indices):
    # torch.index_select(input, 2, indices)
    return jnp.take(input, indices, axis=2)

if __name__ == "__main__":
    import jax
    _d = setup_inputs()
    print(jax.jit(kernel)(*tuple(_d.values())))

</pallas_src>

<mosaic_0001>
#map = affine_map<(d0, d1) -> (0)>
#map1 = affine_map<(d0, d1) -> (0, 0, 0)>
module attributes {stable_mosaic.version = 14 : i64} {
  func.func @sc_gather(%arg0: i32, %arg1: i32, %arg2: memref<33554432xf32, #tpu.memory_space<hbm>>, %arg3: memref<2xi32, #tpu.memory_space<hbm>>, %arg4: memref<32x8x128xf32, #tpu.memory_space<hbm>>, %arg5: memref<16xi32, #tpu.memory_space<vmem>>, %arg6: memref<8x128xi32, #tpu.memory_space<vmem>>, %arg7: memref<8x128xf32, #tpu.memory_space<vmem>>, %arg8: memref<!tpu.dma_semaphore, #tpu.memory_space<semaphore_mem>>) attributes {dimension_semantics = [#tpu.dimension_semantics<core_parallel>, #tpu.dimension_semantics<subcore_parallel>], iteration_bounds = array<i64: 2, 16>, scalar_prefetch = 0 : i64, scratch_operands = 4 : i64, tpu.core_type = #tpu.core_type<sc_vector_subcore>, window_params = [{transform_indices = #map}, {transform_indices = #map}, {transform_indices = #map1}]} {
    %mul3A = arith.constant 2 : i32
    %mul3A_0 = arith.muli %arg1, %mul3A : i32
    %add3A = arith.addi %mul3A_0, %arg0 : i32
    "tpu.region"() ({
      %run_scoped3A = tpu.sem_alloc : memref<!tpu.dma_semaphore, #tpu.memory_space<semaphore_mem>>
      %dma_start3A_779 = arith.constant 0 : i32
      %dma_start3A_780 = tpu.memref_slice %arg5[%dma_start3A_779] : memref<16xi32, #tpu.memory_space<vmem>> -> memref<2xi32, #tpu.memory_space<vmem>>
      %dma_start3A_781 = arith.constant 0 : i32
      %dma_start3A_782 = tpu.memref_slice %arg5[%dma_start3A_781] : memref<16xi32, #tpu.memory_space<vmem>> -> memref<2xi32, #tpu.memory_space<vmem>>
      tpu.enqueue_dma source(%arg3 : memref<2xi32, #tpu.memory_space<hbm>>) target(%dma_start3A_782 : memref<2xi32, #tpu.memory_space<vmem>>) target_semaphore(%run_scoped3A : memref<!tpu.dma_semaphore, #tpu.memory_space<semaphore_mem>>)
      %dma_wait3A_783 = arith.constant 0 : i32
      %dma_wait3A_784 = tpu.memref_slice %arg5[%dma_wait3A_783] : memref<16xi32, #tpu.memory_space<vmem>> -> memref<2xi32, #tpu.memory_space<vmem>>
      %dma_wait3A_785 = arith.constant 0 : i32
      %dma_wait3A_786 = tpu.memref_slice %arg5[%dma_wait3A_785] : memref<16xi32, #tpu.memory_space<vmem>> -> memref<2xi32, #tpu.memory_space<vmem>>
      tpu.wait_dma2 semaphore(%run_scoped3A : memref<!tpu.dma_semaphore, #tpu.memory_space<semaphore_mem>>) src(%arg3 : memref<2xi32, #tpu.memory_space<hbm>>) dst(%dma_wait3A_786 : memref<2xi32, #tpu.memory_space<vmem>>)
      tpu.yield
    }) : () -> ()
    %get3A = arith.constant 0 : index
    %get3A_1 = tpu.vector_load %arg5[%get3A] {strides = array<i32>} : memref<16xi32, #tpu.memory_space<vmem>>, vector<16xi32>,
    %get3A_2 = vector.shape_cast %get3A_1 : vector<16xi32> to vector<16xi32>
    %shift_right_arithmetic3A = arith.constant 7 : i32
    %shift_right_arithmetic3A_3 = vector.broadcast %shift_right_arithmetic3A : i32 to vector<16xi32>
    %shift_right_arithmetic3A_4 = arith.shrsi %get3A_2, %shift_right_arithmetic3A_3 : vector<16xi32>
    %shift_left3A = arith.constant 10 : i32
    %shift_left3A_5 = vector.broadcast %shift_left3A : i32 to vector<16xi32>
    %shift_left3A_6 = arith.shli %shift_right_arithmetic3A_4, %shift_left3A_5 : vector<16xi32>
    %and3A = arith.constant 127 : i32
    %and3A_7 = vector.broadcast %and3A : i32 to vector<16xi32>
    %and3A_8 = arith.andi %get3A_2, %and3A_7 : vector<16xi32>
    %add3A_9 = arith.addi %shift_left3A_6, %and3A_8 : vector<16xi32>
    %iota3A = tpu.iota {dimensions = array<i32: 0>} : vector<16xi32>
    %shift_right_arithmetic3A_10 = arith.constant 3 : i32
    %shift_right_arithmetic3A_11 = vector.broadcast %shift_right_arithmetic3A_10 : i32 to vector<16xi32>
    %shift_right_arithmetic3A_12 = arith.shrsi %iota3A, %shift_right_arithmetic3A_11 : vector<16xi32>
    %mul3A_13 = arith.constant 16384 : i32
    %mul3A_14 = vector.broadcast %mul3A_13 : i32 to vector<16xi32>
    %mul3A_15 = arith.muli %shift_right_arithmetic3A_12, %mul3A_14 : vector<16xi32>
    %and3A_16 = arith.constant 7 : i32
    %and3A_17 = vector.broadcast %and3A_16 : i32 to vector<16xi32>
    %and3A_18 = arith.andi %iota3A, %and3A_17 : vector<16xi32>
    %mul3A_19 = arith.constant 128 : i32
    %mul3A_20 = vector.broadcast %mul3A_19 : i32 to vector<16xi32>
    %mul3A_21 = arith.muli %and3A_18, %mul3A_20 : vector<16xi32>
    %add3A_22 = arith.addi %mul3A_15, %mul3A_21 : vector<16xi32>
    %shift_right_arithmetic3A_23 = arith.constant 3 : i32
    %shift_right_arithmetic3A_24 = arith.shrsi %add3A, %shift_right_arithmetic3A_23 : i32
    %mul3A_25 = arith.constant 512 : i32
    %mul3A_26 = arith.muli %shift_right_arithmetic3A_24, %mul3A_25 : i32
    %and3A_27 = arith.constant 7 : i32
    %and3A_28 = arith.andi %add3A, %and3A_27 : i32
    %mul3A_29 = arith.constant 64 : i32
    %mul3A_30 = arith.muli %and3A_28, %mul3A_29 : i32
    %add3A_31 = arith.addi %mul3A_26, %mul3A_30 : i32
    %mul3A_32 = arith.constant 16384 : i32
    %mul3A_33 = arith.muli %add3A_31, %mul3A_32 : i32
    %broadcast_in_dim3A = arith.constant 0 : i32
    %broadcast_in_dim3A_34 = vector.broadcast %broadcast_in_dim3A : i32 to vector<16x1xi32>
    %gather3A = vector.shape_cast %broadcast_in_dim3A_34 : vector<16x1xi32> to vector<16xi32>
    %gather3A_35 = tpu.dynamic_gather %add3A_9[%gather3A] in [0] : vector<16xi32>, vector<16xi32> -> vector<16xi32>
    %add3A_36 = arith.addi %gather3A_35, %add3A_22 : vector<16xi32>
    %add3A_37 = vector.broadcast %mul3A_33 : i32 to vector<16xi32>
    %add3A_38 = arith.addi %add3A_36, %add3A_37 : vector<16xi32>
    %broadcast_in_dim3A_39 = arith.constant 1 : i32
    %broadcast_in_dim3A_40 = vector.broadcast %broadcast_in_dim3A_39 : i32 to vector<16x1xi32>
    %gather3A_41 = vector.shape_cast %broadcast_in_dim3A_40 : vector<16x1xi32> to vector<16xi32>
    %gather3A_42 = tpu.dynamic_gather %add3A_9[%gather3A_41] in [0] : vector<16xi32>, vector<16xi32> -> vector<16xi32>
    %add3A_43 = arith.addi %gather3A_42, %add3A_22 : vector<16xi32>
    %add3A_44 = vector.broadcast %mul3A_33 : i32 to vector<16xi32>
    %add3A_45 = arith.addi %add3A_43, %add3A_44 : vector<16xi32>
    %add3A_46 = arith.constant 0 : i32
    %add3A_47 = vector.broadcast %add3A_46 : i32 to vector<16xi32>
    %add3A_48 = arith.addi %add3A_38, %add3A_47 : vector<16xi32>
    %swap3A = arith.constant 0 : i32
    %swap3A_49 = arith.index_cast %swap3A : i32 to index
    %swap3A_50 = arith.constant 0 : index
    %swap3A_51 = tpu.vector_load %arg6[%swap3A_49, %swap3A_50] {strides = array<i32>} : memref<8x128xi32, #tpu.memory_space<vmem>>, vector<1x16xi32>,
    %swap3A_52 = vector.shape_cast %swap3A_51 : vector<1x16xi32> to vector<16xi32>
    %swap3A_53 = vector.shape_cast %add3A_48 : vector<16xi32> to vector<1x16xi32>
    tpu.vector_store %arg6[%swap3A_49, %swap3A_50], %swap3A_53 {strides = array<i32>} : memref<8x128xi32, #tpu.memory_space<vmem>>, vector<1x16xi32>,
    %add3A_54 = arith.constant 32768 : i32
    %add3A_55 = vector.broadcast %add3A_54 : i32 to vector<16xi32>
    %add3A_56 = arith.addi %add3A_38, %add3A_55 : vector<16xi32>
    %swap3A_57 = arith.constant 0 : i32
    %swap3A_58 = arith.index_cast %swap3A_57 : i32 to index
    %swap3A_59 = arith.constant 16 : index
    %swap3A_60 = tpu.vector_load %arg6[%swap3A_58, %swap3A_59] {strides = array<i32>} : memref<8x128xi32, #tpu.memory_space<vmem>>, vector<1x16xi32>,
    %swap3A_61 = vector.shape_cast %swap3A_60 : vector<1x16xi32> to vector<16xi32>
    %swap3A_62 = vector.shape_cast %add3A_56 : vector<16xi32> to vector<1x16xi32>
    tpu.vector_store %arg6[%swap3A_58, %swap3A_59], %swap3A_62 {strides = array<i32>} : memref<8x128xi32, #tpu.memory_space<vmem>>, vector<1x16xi32>,
    %add3A_63 = arith.constant 65536 : i32
    %add3A_64 = vector.broadcast %add3A_63 : i32 to vector<16xi32>
    %add3A_65 = arith.addi %add3A_38, %add3A_64 : vector<16xi32>
    %swap3A_66 = arith.constant 0 : i32
    %swap3A_67 = arith.index_cast %swap3A_66 : i32 to index
    %swap3A_68 = arith.constant 32 : index
    %swap3A_69 = tpu.vector_load %arg6[%swap3A_67, %swap3A_68] {strides = array<i32>} : memref<8x128xi32, #tpu.memory_space<vmem>>, vector<1x16xi32>,
    %swap3A_70 = vector.shape_cast %swap3A_69 : vector<1x16xi32> to vector<16xi32>
    %swap3A_71 = vector.shape_cast %add3A_65 : vector<16xi32> to vector<1x16xi32>
    tpu.vector_store %arg6[%swap3A_67, %swap3A_68], %swap3A_71 {strides = array<i32>} : memref<8x128xi32, #tpu.memory_space<vmem>>, vector<1x16xi32>,
    %add3A_72 = arith.constant 98304 : i32
    %add3A_73 = vector.broadcast %add3A_72 : i32 to vector<16xi32>
    %add3A_74 = arith.addi %add3A_38, %add3A_73 : vector<16xi32>
    %swap3A_75 = arith.constant 0 : i32
    %swap3A_76 = arith.index_cast %swap3A_75 : i32 to index
    %swap3A_77 = arith.constant 48 : index
    %swap3A_78 = tpu.vector_load %arg6[%swap3A_76, %swap3A_77] {strides = array<i32>} : memref<8x128xi32, #tpu.memory_space<vmem>>, vector<1x16xi32>,
    %swap3A_79 = vector.shape_cast %swap3A_78 : vector<1x16xi32> to vector<16xi32>
    %swap3A_80 = vector.shape_cast %add3A_74 : vector<16xi32> to vector<1x16xi32>
    tpu.vector_store %arg6[%swap3A_76, %swap3A_77], %swap3A_80 {strides = array<i32>} : memref<8x128xi32, #tpu.memory_space<vmem>>, vector<1x16xi32>,
    %add3A_81 = arith.constant 131072 : i32
    %add3A_82 = vector.broadcast %add3A_81 : i32 to vector<16xi32>
    %add3A_83 = arith.addi %add3A_38, %add3A_82 : vector<16xi32>
    %swap3A_84 = arith.constant 0 : i32
    %swap3A_85 = arith.index_cast %swap3A_84 : i32 to index
    %swap3A_86 = arith.constant 64 : index
    %swap3A_87 = tpu.vector_load %arg6[%swap3A_85, %swap3A_86] {strides = array<i32>} : memref<8x128xi32, #tpu.memory_space<vmem>>, vector<1x16xi32>,
    %swap3A_88 = vector.shape_cast %swap3A_87 : vector<1x16xi32> to vector<16xi32>
    %swap3A_89 = vector.shape_cast %add3A_83 : vector<16xi32> to vector<1x16xi32>
    tpu.vector_store %arg6[%swap3A_85, %swap3A_86], %swap3A_89 {strides = array<i32>} : memref<8x128xi32, #tpu.memory_space<vmem>>, vector<1x16xi32>,
    %add3A_90 = arith.constant 163840 : i32
    %add3A_91 = vector.broadcast %add3A_90 : i32 to vector<16xi32>
    %add3A_92 = arith.addi %add3A_38, %add3A_91 : vector<16xi32>
    %swap3A_93 = arith.constant 0 : i32
    %swap3A_94 = arith.index_cast %swap3A_93 : i32 to index
    %swap3A_95 = arith.constant 80 : index
    %swap3A_96 = tpu.vector_load %arg6[%swap3A_94, %swap3A_95] {strides = array<i32>} : memref<8x128xi32, #tpu.memory_space<vmem>>, vector<1x16xi32>,
    %swap3A_97 = vector.shape_cast %swap3A_96 : vector<1x16xi32> to vector<16xi32>
    %swap3A_98 = vector.shape_cast %add3A_92 : vector<16xi32> to vector<1x16xi32>
    tpu.vector_store %arg6[%swap3A_94, %swap3A_95], %swap3A_98 {strides = array<i32>} : memref<8x128xi32, #tpu.memory_space<vmem>>, vector<1x16xi32>,
    %add3A_99 = arith.constant 196608 : i32
    %add3A_100 = vector.broadcast %add3A_99 : i32 to vector<16xi32>
    %add3A_101 = arith.addi %add3A_38, %add3A_100 : vector<16xi32>
    %swap3A_102 = arith.constant 0 : i32
    %swap3A_103 = arith.index_cast %swap3A_102 : i32 to index
    %swap3A_104 = arith.constant 96 : index
    %swap3A_105 = tpu.vector_load %arg6[%swap3A_103, %swap3A_104] {strides = array<i32>} : memref<8x128xi32, #tpu.memory_space<vmem>>, vector<1x16xi32>,
    %swap3A_106 = vector.shape_cast %swap3A_105 : vector<1x16xi32> to vector<16xi32>
    %swap3A_107 = vector.shape_cast %add3A_101 : vector<16xi32> to vector<1x16xi32>
    tpu.vector_store %arg6[%swap3A_103, %swap3A_104], %swap3A_107 {strides = array<i32>} : memref<8x128xi32, #tpu.memory_space<vmem>>, vector<1x16xi32>,
    %add3A_108 = arith.constant 229376 : i32
    %add3A_109 = vector.broadcast %add3A_108 : i32 to vector<16xi32>
    %add3A_110 = arith.addi %add3A_38, %add3A_109 : vector<16xi32>
    %swap3A_111 = arith.constant 0 : i32
    %swap3A_112 = arith.index_cast %swap3A_111 : i32 to index
    %swap3A_113 = arith.constant 112 : index
    %swap3A_114 = tpu.vector_load %arg6[%swap3A_112, %swap3A_113] {strides = array<i32>} : memref<8x128xi32, #tpu.memory_space<vmem>>, vector<1x16xi32>,
    %swap3A_115 = vector.shape_cast %swap3A_114 : vector<1x16xi32> to vector<16xi32>
    %swap3A_116 = vector.shape_cast %add3A_110 : vector<16xi32> to vector<1x16xi32>
    tpu.vector_store %arg6[%swap3A_112, %swap3A_113], %swap3A_116 {strides = array<i32>} : memref<8x128xi32, #tpu.memory_space<vmem>>, vector<1x16xi32>,
    %dma_start3A = arith.constant 0 : i32
    %dma_start3A_117 = arith.constant 0 : i32
    %dma_start3A_118 = arith.constant 0 : i32
    %dma_start3A_119 = tpu.memref_slice %arg7[%dma_start3A_117, %dma_start3A_118] : memref<8x128xf32, #tpu.memory_space<vmem>> -> memref<1x128xf32, #tpu.memory_space<vmem>>
    %dma_start3A_120 = tpu.memref_squeeze %dma_start3A_119 : memref<1x128xf32, #tpu.memory_space<vmem>> -> memref<128xf32, #tpu.memory_space<vmem>>
    %dma_start3A_121 = arith.constant 0 : i32
    %dma_start3A_122 = tpu.memref_slice %arg6[%dma_start3A, %dma_start3A_121] : memref<8x128xi32, #tpu.memory_space<vmem>> -> memref<1x128xi32, #tpu.memory_space<vmem>>
    %dma_start3A_123 = tpu.memref_squeeze %dma_start3A_122 : memref<1x128xi32, #tpu.memory_space<vmem>> -> memref<128xi32, #tpu.memory_space<vmem>>
    %dma_start3A_124 = arith.constant 0 : i32
    %dma_start3A_125 = tpu.memref_slice %arg2[%dma_start3A_124] : memref<33554432xf32, #tpu.memory_space<hbm>> -> memref<33554432xf32, #tpu.memory_space<hbm>>
    tpu.enqueue_indirect_dma source(%dma_start3A_125 : memref<33554432xf32, #tpu.memory_space<hbm>>) target(%dma_start3A_120 : memref<128xf32, #tpu.memory_space<vmem>>) offsets(%dma_start3A_123 : memref<128xi32, #tpu.memory_space<vmem>>) semaphore(%arg8 : memref<!tpu.dma_semaphore, #tpu.memory_space<semaphore_mem>>)
    %add3A_126 = arith.constant 0 : i32
    %add3A_127 = vector.broadcast %add3A_126 : i32 to vector<16xi32>
    %add3A_128 = arith.addi %add3A_45, %add3A_127 : vector<16xi32>
    %swap3A_129 = arith.constant 1 : i32
    %swap3A_130 = arith.index_cast %swap3A_129 : i32 to index
    %swap3A_131 = arith.constant 0 : index
    %swap3A_132 = tpu.vector_load %arg6[%swap3A_130, %swap3A_131] {strides = array<i32>} : memref<8x128xi32, #tpu.memory_space<vmem>>, vector<1x16xi32>,
    %swap3A_133 = vector.shape_cast %swap3A_132 : vector<1x16xi32> to vector<16xi32>
    %swap3A_134 = vector.shape_cast %add3A_128 : vector<16xi32> to vector<1x16xi32>
    tpu.vector_store %arg6[%swap3A_130, %swap3A_131], %swap3A_134 {strides = array<i32>} : memref<8x128xi32, #tpu.memory_space<vmem>>, vector<1x16xi32>,
    %add3A_135 = arith.constant 32768 : i32
    %add3A_136 = vector.broadcast %add3A_135 : i32 to vector<16xi32>
    %add3A_137 = arith.addi %add3A_45, %add3A_136 : vector<16xi32>
    %swap3A_138 = arith.constant 1 : i32
    %swap3A_139 = arith.index_cast %swap3A_138 : i32 to index
    %swap3A_140 = arith.constant 16 : index
    %swap3A_141 = tpu.vector_load %arg6[%swap3A_139, %swap3A_140] {strides = array<i32>} : memref<8x128xi32, #tpu.memory_space<vmem>>, vector<1x16xi32>,
    %swap3A_142 = vector.shape_cast %swap3A_141 : vector<1x16xi32> to vector<16xi32>
    %swap3A_143 = vector.shape_cast %add3A_137 : vector<16xi32> to vector<1x16xi32>
    tpu.vector_store %arg6[%swap3A_139, %swap3A_140], %swap3A_143 {strides = array<i32>} : memref<8x128xi32, #tpu.memory_space<vmem>>, vector<1x16xi32>,
    %add3A_144 = arith.constant 65536 : i32
    %add3A_145 = vector.broadcast %add3A_144 : i32 to vector<16xi32>
    %add3A_146 = arith.addi %add3A_45, %add3A_145 : vector<16xi32>
    %swap3A_147 = arith.constant 1 : i32
    %swap3A_148 = arith.index_cast %swap3A_147 : i32 to index
    %swap3A_149 = arith.constant 32 : index
    %swap3A_150 = tpu.vector_load %arg6[%swap3A_148, %swap3A_149] {strides = array<i32>} : memref<8x128xi32, #tpu.memory_space<vmem>>, vector<1x16xi32>,
    %swap3A_151 = vector.shape_cast %swap3A_150 : vector<1x16xi32> to vector<16xi32>
    %swap3A_152 = vector.shape_cast %add3A_146 : vector<16xi32> to vector<1x16xi32>
    tpu.vector_store %arg6[%swap3A_148, %swap3A_149], %swap3A_152 {strides = array<i32>} : memref<8x128xi32, #tpu.memory_space<vmem>>, vector<1x16xi32>,
    %add3A_153 = arith.constant 98304 : i32
    %add3A_154 = vector.broadcast %add3A_153 : i32 to vector<16xi32>
    %add3A_155 = arith.addi %add3A_45, %add3A_154 : vector<16xi32>
    %swap3A_156 = arith.constant 1 : i32
    %swap3A_157 = arith.index_cast %swap3A_156 : i32 to index
    %swap3A_158 = arith.constant 48 : index
    %swap3A_159 = tpu.vector_load %arg6[%swap3A_157, %swap3A_158] {strides = array<i32>} : memref<8x128xi32, #tpu.memory_space<vmem>>, vector<1x16xi32>,
    %swap3A_160 = vector.shape_cast %swap3A_159 : vector<1x16xi32> to vector<16xi32>
    %swap3A_161 = vector.shape_cast %add3A_155 : vector<16xi32> to vector<1x16xi32>
    tpu.vector_store %arg6[%swap3A_157, %swap3A_158], %swap3A_161 {strides = array<i32>} : memref<8x128xi32, #tpu.memory_space<vmem>>, vector<1x16xi32>,
    %add3A_162 = arith.constant 131072 : i32
    %add3A_163 = vector.broadcast %add3A_162 : i32 to vector<16xi32>
    %add3A_164 = arith.addi %add3A_45, %add3A_163 : vector<16xi32>
    %swap3A_165 = arith.constant 1 : i32
    %swap3A_166 = arith.index_cast %swap3A_165 : i32 to index
    %swap3A_167 = arith.constant 64 : index
    %swap3A_168 = tpu.vector_load %arg6[%swap3A_166, %swap3A_167] {strides = array<i32>} : memref<8x128xi32, #tpu.memory_space<vmem>>, vector<1x16xi32>,
    %swap3A_169 = vector.shape_cast %swap3A_168 : vector<1x16xi32> to vector<16xi32>
    %swap3A_170 = vector.shape_cast %add3A_164 : vector<16xi32> to vector<1x16xi32>
    tpu.vector_store %arg6[%swap3A_166, %swap3A_167], %swap3A_170 {strides = array<i32>} : memref<8x128xi32, #tpu.memory_space<vmem>>, vector<1x16xi32>,
    %add3A_171 = arith.constant 163840 : i32
    %add3A_172 = vector.broadcast %add3A_171 : i32 to vector<16xi32>
    %add3A_173 = arith.addi %add3A_45, %add3A_172 : vector<16xi32>
    %swap3A_174 = arith.constant 1 : i32
    %swap3A_175 = arith.index_cast %swap3A_174 : i32 to index
    %swap3A_176 = arith.constant 80 : index
    %swap3A_177 = tpu.vector_load %arg6[%swap3A_175, %swap3A_176] {strides = array<i32>} : memref<8x128xi32, #tpu.memory_space<vmem>>, vector<1x16xi32>,
    %swap3A_178 = vector.shape_cast %swap3A_177 : vector<1x16xi32> to vector<16xi32>
    %swap3A_179 = vector.shape_cast %add3A_173 : vector<16xi32> to vector<1x16xi32>
    tpu.vector_store %arg6[%swap3A_175, %swap3A_176], %swap3A_179 {strides = array<i32>} : memref<8x128xi32, #tpu.memory_space<vmem>>, vector<1x16xi32>,
    %add3A_180 = arith.constant 196608 : i32
    %add3A_181 = vector.broadcast %add3A_180 : i32 to vector<16xi32>
    %add3A_182 = arith.addi %add3A_45, %add3A_181 : vector<16xi32>
    %swap3A_183 = arith.constant 1 : i32
    %swap3A_184 = arith.index_cast %swap3A_183 : i32 to index
    %swap3A_185 = arith.constant 96 : index
    %swap3A_186 = tpu.vector_load %arg6[%swap3A_184, %swap3A_185] {strides = array<i32>} : memref<8x128xi32, #tpu.memory_space<vmem>>, vector<1x16xi32>,
    %swap3A_187 = vector.shape_cast %swap3A_186 : vector<1x16xi32> to vector<16xi32>
    %swap3A_188 = vector.shape_cast %add3A_182 : vector<16xi32> to vector<1x16xi32>
    tpu.vector_store %arg6[%swap3A_184, %swap3A_185], %swap3A_188 {strides = array<i32>} : memref<8x128xi32, #tpu.memory_space<vmem>>, vector<1x16xi32>,
    %add3A_189 = arith.constant 229376 : i32
    %add3A_190 = vector.broadcast %add3A_189 : i32 to vector<16xi32>
    %add3A_191 = arith.addi %add3A_45, %add3A_190 : vector<16xi32>
    %swap3A_192 = arith.constant 1 : i32
    %swap3A_193 = arith.index_cast %swap3A_192 : i32 to index
    %swap3A_194 = arith.constant 112 : index
    %swap3A_195 = tpu.vector_load %arg6[%swap3A_193, %swap3A_194] {strides = array<i32>} : memref<8x128xi32, #tpu.memory_space<vmem>>, vector<1x16xi32>,
    %swap3A_196 = vector.shape_cast %swap3A_195 : vector<1x16xi32> to vector<16xi32>
    %swap3A_197 = vector.shape_cast %add3A_191 : vector<16xi32> to vector<1x16xi32>
    tpu.vector_store %arg6[%swap3A_193, %swap3A_194], %swap3A_197 {strides = array<i32>} : memref<8x128xi32, #tpu.memory_space<vmem>>, vector<1x16xi32>,
    %dma_start3A_198 = arith.constant 1 : i32
    %dma_start3A_199 = arith.constant 1 : i32
    %dma_start3A_200 = arith.constant 0 : i32
    %dma_start3A_201 = tpu.memref_slice %arg7[%dma_start3A_199, %dma_start3A_200] : memref<8x128xf32, #tpu.memory_space<vmem>> -> memref<1x128xf32, #tpu.memory_space<vmem>>
    %dma_start3A_202 = tpu.memref_squeeze %dma_start3A_201 : memref<1x128xf32, #tpu.memory_space<vmem>> -> memref<128xf32, #tpu.memory_space<vmem>>
    %dma_start3A_203 = arith.constant 0 : i32
    %dma_start3A_204 = tpu.memref_slice %arg6[%dma_start3A_198, %dma_start3A_203] : memref<8x128xi32, #tpu.memory_space<vmem>> -> memref<1x128xi32, #tpu.memory_space<vmem>>
    %dma_start3A_205 = tpu.memref_squeeze %dma_start3A_204 : memref<1x128xi32, #tpu.memory_space<vmem>> -> memref<128xi32, #tpu.memory_space<vmem>>
    %dma_start3A_206 = arith.constant 0 : i32
    %dma_start3A_207 = tpu.memref_slice %arg2[%dma_start3A_206] : memref<33554432xf32, #tpu.memory_space<hbm>> -> memref<33554432xf32, #tpu.memory_space<hbm>>
    tpu.enqueue_indirect_dma source(%dma_start3A_207 : memref<33554432xf32, #tpu.memory_space<hbm>>) target(%dma_start3A_202 : memref<128xf32, #tpu.memory_space<vmem>>) offsets(%dma_start3A_205 : memref<128xi32, #tpu.memory_space<vmem>>) semaphore(%arg8 : memref<!tpu.dma_semaphore, #tpu.memory_space<semaphore_mem>>)
    %add3A_208 = arith.constant 262144 : i32
    %add3A_209 = vector.broadcast %add3A_208 : i32 to vector<16xi32>
    %add3A_210 = arith.addi %add3A_38, %add3A_209 : vector<16xi32>
    %swap3A_211 = arith.constant 2 : i32
    %swap3A_212 = arith.index_cast %swap3A_211 : i32 to index
    %swap3A_213 = arith.constant 0 : index
    %swap3A_214 = tpu.vector_load %arg6[%swap3A_212, %swap3A_213] {strides = array<i32>} : memref<8x128xi32, #tpu.memory_space<vmem>>, vector<1x16xi32>,
    %swap3A_215 = vector.shape_cast %swap3A_214 : vector<1x16xi32> to vector<16xi32>
    %swap3A_216 = vector.shape_cast %add3A_210 : vector<16xi32> to vector<1x16xi32>
    tpu.vector_store %arg6[%swap3A_212, %swap3A_213], %swap3A_216 {strides = array<i32>} : memref<8x128xi32, #tpu.memory_space<vmem>>, vector<1x16xi32>,
    %add3A_217 = arith.constant 294912 : i32
    %add3A_218 = vector.broadcast %add3A_217 : i32 to vector<16xi32>
    %add3A_219 = arith.addi %add3A_38, %add3A_218 : vector<16xi32>
    %swap3A_220 = arith.constant 2 : i32
    %swap3A_221 = arith.index_cast %swap3A_220 : i32 to index
    %swap3A_222 = arith.constant 16 : index
    %swap3A_223 = tpu.vector_load %arg6[%swap3A_221, %swap3A_222] {strides = array<i32>} : memref<8x128xi32, #tpu.memory_space<vmem>>, vector<1x16xi32>,
    %swap3A_224 = vector.shape_cast %swap3A_223 : vector<1x16xi32> to vector<16xi32>
    %swap3A_225 = vector.shape_cast %add3A_219 : vector<16xi32> to vector<1x16xi32>
    tpu.vector_store %arg6[%swap3A_221, %swap3A_222], %swap3A_225 {strides = array<i32>} : memref<8x128xi32, #tpu.memory_space<vmem>>, vector<1x16xi32>,
    %add3A_226 = arith.constant 327680 : i32
    %add3A_227 = vector.broadcast %add3A_226 : i32 to vector<16xi32>
    %add3A_228 = arith.addi %add3A_38, %add3A_227 : vector<16xi32>
    %swap3A_229 = arith.constant 2 : i32
    %swap3A_230 = arith.index_cast %swap3A_229 : i32 to index
    %swap3A_231 = arith.constant 32 : index
    %swap3A_232 = tpu.vector_load %arg6[%swap3A_230, %swap3A_231] {strides = array<i32>} : memref<8x128xi32, #tpu.memory_space<vmem>>, vector<1x16xi32>,
    %swap3A_233 = vector.shape_cast %swap3A_232 : vector<1x16xi32> to vector<16xi32>
    %swap3A_234 = vector.shape_cast %add3A_228 : vector<16xi32> to vector<1x16xi32>
    tpu.vector_store %arg6[%swap3A_230, %swap3A_231], %swap3A_234 {strides = array<i32>} : memref<8x128xi32, #tpu.memory_space<vmem>>, vector<1x16xi32>,
    %add3A_235 = arith.constant 360448 : i32
    %add3A_236 = vector.broadcast %add3A_235 : i32 to vector<16xi32>
    %add3A_237 = arith.addi %add3A_38, %add3A_236 : vector<16xi32>
    %swap3A_238 = arith.constant 2 : i32
    %swap3A_239 = arith.index_cast %swap3A_238 : i32 to index
    %swap3A_240 = arith.constant 48 : index
    %swap3A_241 = tpu.vector_load %arg6[%swap3A_239, %swap3A_240] {strides = array<i32>} : memref<8x128xi32, #tpu.memory_space<vmem>>, vector<1x16xi32>,
    %swap3A_242 = vector.shape_cast %swap3A_241 : vector<1x16xi32> to vector<16xi32>
    %swap3A_243 = vector.shape_cast %add3A_237 : vector<16xi32> to vector<1x16xi32>
    tpu.vector_store %arg6[%swap3A_239, %swap3A_240], %swap3A_243 {strides = array<i32>} : memref<8x128xi32, #tpu.memory_space<vmem>>, vector<1x16xi32>,
    %add3A_244 = arith.constant 393216 : i32
    %add3A_245 = vector.broadcast %add3A_244 : i32 to vector<16xi32>
    %add3A_246 = arith.addi %add3A_38, %add3A_245 : vector<16xi32>
    %swap3A_247 = arith.constant 2 : i32
    %swap3A_248 = arith.index_cast %swap3A_247 : i32 to index
    %swap3A_249 = arith.constant 64 : index
    %swap3A_250 = tpu.vector_load %arg6[%swap3A_248, %swap3A_249] {strides = array<i32>} : memref<8x128xi32, #tpu.memory_space<vmem>>, vector<1x16xi32>,
    %swap3A_251 = vector.shape_cast %swap3A_250 : vector<1x16xi32> to vector<16xi32>
    %swap3A_252 = vector.shape_cast %add3A_246 : vector<16xi32> to vector<1x16xi32>
    tpu.vector_store %arg6[%swap3A_248, %swap3A_249], %swap3A_252 {strides = array<i32>} : memref<8x128xi32, #tpu.memory_space<vmem>>, vector<1x16xi32>,
    %add3A_253 = arith.constant 425984 : i32
    %add3A_254 = vector.broadcast %add3A_253 : i32 to vector<16xi32>
    %add3A_255 = arith.addi %add3A_38, %add3A_254 : vector<16xi32>
    %swap3A_256 = arith.constant 2 : i32
    %swap3A_257 = arith.index_cast %swap3A_256 : i32 to index
    %swap3A_258 = arith.constant 80 : index
    %swap3A_259 = tpu.vector_load %arg6[%swap3A_257, %swap3A_258] {strides = array<i32>} : memref<8x128xi32, #tpu.memory_space<vmem>>, vector<1x16xi32>,
    %swap3A_260 = vector.shape_cast %swap3A_259 : vector<1x16xi32> to vector<16xi32>
    %swap3A_261 = vector.shape_cast %add3A_255 : vector<16xi32> to vector<1x16xi32>
    tpu.vector_store %arg6[%swap3A_257, %swap3A_258], %swap3A_261 {strides = array<i32>} : memref<8x128xi32, #tpu.memory_space<vmem>>, vector<1x16xi32>,
    %add3A_262 = arith.constant 458752 : i32
    %add3A_263 = vector.broadcast %add3A_262 : i32 to vector<16xi32>
    %add3A_264 = arith.addi %add3A_38, %add3A_263 : vector<16xi32>
    %swap3A_265 = arith.constant 2 : i32
    %swap3A_266 = arith.index_cast %swap3A_265 : i32 to index
    %swap3A_267 = arith.constant 96 : index
    %swap3A_268 = tpu.vector_load %arg6[%swap3A_266, %swap3A_267] {strides = array<i32>} : memref<8x128xi32, #tpu.memory_space<vmem>>, vector<1x16xi32>,
    %swap3A_269 = vector.shape_cast %swap3A_268 : vector<1x16xi32> to vector<16xi32>
    %swap3A_270 = vector.shape_cast %add3A_264 : vector<16xi32> to vector<1x16xi32>
    tpu.vector_store %arg6[%swap3A_266, %swap3A_267], %swap3A_270 {strides = array<i32>} : memref<8x128xi32, #tpu.memory_space<vmem>>, vector<1x16xi32>,
    %add3A_271 = arith.constant 491520 : i32
    %add3A_272 = vector.broadcast %add3A_271 : i32 to vector<16xi32>
    %add3A_273 = arith.addi %add3A_38, %add3A_272 : vector<16xi32>
    %swap3A_274 = arith.constant 2 : i32
    %swap3A_275 = arith.index_cast %swap3A_274 : i32 to index
    %swap3A_276 = arith.constant 112 : index
    %swap3A_277 = tpu.vector_load %arg6[%swap3A_275, %swap3A_276] {strides = array<i32>} : memref<8x128xi32, #tpu.memory_space<vmem>>, vector<1x16xi32>,
    %swap3A_278 = vector.shape_cast %swap3A_277 : vector<1x16xi32> to vector<16xi32>
    %swap3A_279 = vector.shape_cast %add3A_273 : vector<16xi32> to vector<1x16xi32>
    tpu.vector_store %arg6[%swap3A_275, %swap3A_276], %swap3A_279 {strides = array<i32>} : memref<8x128xi32, #tpu.memory_space<vmem>>, vector<1x16xi32>,
    %dma_start3A_280 = arith.constant 2 : i32
    %dma_start3A_281 = arith.constant 2 : i32
    %dma_start3A_282 = arith.constant 0 : i32
    %dma_start3A_283 = tpu.memref_slice %arg7[%dma_start3A_281, %dma_start3A_282] : memref<8x128xf32, #tpu.memory_space<vmem>> -> memref<1x128xf32, #tpu.memory_space<vmem>>
    %dma_start3A_284 = tpu.memref_squeeze %dma_start3A_283 : memref<1x128xf32, #tpu.memory_space<vmem>> -> memref<128xf32, #tpu.memory_space<vmem>>
    %dma_start3A_285 = arith.constant 0 : i32
    %dma_start3A_286 = tpu.memref_slice %arg6[%dma_start3A_280, %dma_start3A_285] : memref<8x128xi32, #tpu.memory_space<vmem>> -> memref<1x128xi32, #tpu.memory_space<vmem>>
    %dma_start3A_287 = tpu.memref_squeeze %dma_start3A_286 : memref<1x128xi32, #tpu.memory_space<vmem>> -> memref<128xi32, #tpu.memory_space<vmem>>
    %dma_start3A_288 = arith.constant 0 : i32
    %dma_start3A_289 = tpu.memref_slice %arg2[%dma_start3A_288] : memref<33554432xf32, #tpu.memory_space<hbm>> -> memref<33554432xf32, #tpu.memory_space<hbm>>
    tpu.enqueue_indirect_dma source(%dma_start3A_289 : memref<33554432xf32, #tpu.memory_space<hbm>>) target(%dma_start3A_284 : memref<128xf32, #tpu.memory_space<vmem>>) offsets(%dma_start3A_287 : memref<128xi32, #tpu.memory_space<vmem>>) semaphore(%arg8 : memref<!tpu.dma_semaphore, #tpu.memory_space<semaphore_mem>>)
    %add3A_290 = arith.constant 262144 : i32
    %add3A_291 = vector.broadcast %add3A_290 : i32 to vector<16xi32>
    %add3A_292 = arith.addi %add3A_45, %add3A_291 : vector<16xi32>
    %swap3A_293 = arith.constant 3 : i32
    %swap3A_294 = arith.index_cast %swap3A_293 : i32 to index
    %swap3A_295 = arith.constant 0 : index
    %swap3A_296 = tpu.vector_load %arg6[%swap3A_294, %swap3A_295] {strides = array<i32>} : memref<8x128xi32, #tpu.memory_space<vmem>>, vector<1x16xi32>,
    %swap3A_297 = vector.shape_cast %swap3A_296 : vector<1x16xi32> to vector<16xi32>
    %swap3A_298 = vector.shape_cast %add3A_292 : vector<16xi32> to vector<1x16xi32>
    tpu.vector_store %arg6[%swap3A_294, %swap3A_295], %swap3A_298 {strides = array<i32>} : memref<8x128xi32, #tpu.memory_space<vmem>>, vector<1x16xi32>,
    %add3A_299 = arith.constant 294912 : i32
    %add3A_300 = vector.broadcast %add3A_299 : i32 to vector<16xi32>
    %add3A_301 = arith.addi %add3A_45, %add3A_300 : vector<16xi32>
    %swap3A_302 = arith.constant 3 : i32
    %swap3A_303 = arith.index_cast %swap3A_302 : i32 to index
    %swap3A_304 = arith.constant 16 : index
    %swap3A_305 = tpu.vector_load %arg6[%swap3A_303, %swap3A_304] {strides = array<i32>} : memref<8x128xi32, #tpu.memory_space<vmem>>, vector<1x16xi32>,
    %swap3A_306 = vector.shape_cast %swap3A_305 : vector<1x16xi32> to vector<16xi32>
    %swap3A_307 = vector.shape_cast %add3A_301 : vector<16xi32> to vector<1x16xi32>
    tpu.vector_store %arg6[%swap3A_303, %swap3A_304], %swap3A_307 {strides = array<i32>} : memref<8x128xi32, #tpu.memory_space<vmem>>, vector<1x16xi32>,
    %add3A_308 = arith.constant 327680 : i32
    %add3A_309 = vector.broadcast %add3A_308 : i32 to vector<16xi32>
    %add3A_310 = arith.addi %add3A_45, %add3A_309 : vector<16xi32>
    %swap3A_311 = arith.constant 3 : i32
    %swap3A_312 = arith.index_cast %swap3A_311 : i32 to index
    %swap3A_313 = arith.constant 32 : index
    %swap3A_314 = tpu.vector_load %arg6[%swap3A_312, %swap3A_313] {strides = array<i32>} : memref<8x128xi32, #tpu.memory_space<vmem>>, vector<1x16xi32>,
    %swap3A_315 = vector.shape_cast %swap3A_314 : vector<1x16xi32> to vector<16xi32>
    %swap3A_316 = vector.shape_cast %add3A_310 : vector<16xi32> to vector<1x16xi32>
    tpu.vector_store %arg6[%swap3A_312, %swap3A_313], %swap3A_316 {strides = array<i32>} : memref<8x128xi32, #tpu.memory_space<vmem>>, vector<1x16xi32>,
    %add3A_317 = arith.constant 360448 : i32
    %add3A_318 = vector.broadcast %add3A_317 : i32 to vector<16xi32>
    %add3A_319 = arith.addi %add3A_45, %add3A_318 : vector<16xi32>
    %swap3A_320 = arith.constant 3 : i32
    %swap3A_321 = arith.index_cast %swap3A_320 : i32 to index
    %swap3A_322 = arith.constant 48 : index
    %swap3A_323 = tpu.vector_load %arg6[%swap3A_321, %swap3A_322] {strides = array<i32>} : memref<8x128xi32, #tpu.memory_space<vmem>>, vector<1x16xi32>,
    %swap3A_324 = vector.shape_cast %swap3A_323 : vector<1x16xi32> to vector<16xi32>
    %swap3A_325 = vector.shape_cast %add3A_319 : vector<16xi32> to vector<1x16xi32>
    tpu.vector_store %arg6[%swap3A_321, %swap3A_322], %swap3A_325 {strides = array<i32>} : memref<8x128xi32, #tpu.memory_space<vmem>>, vector<1x16xi32>,
    %add3A_326 = arith.constant 393216 : i32
    %add3A_327 = vector.broadcast %add3A_326 : i32 to vector<16xi32>
    %add3A_328 = arith.addi %add3A_45, %add3A_327 : vector<16xi32>
    %swap3A_329 = arith.constant 3 : i32
    %swap3A_330 = arith.index_cast %swap3A_329 : i32 to index
    %swap3A_331 = arith.constant 64 : index
    %swap3A_332 = tpu.vector_load %arg6[%swap3A_330, %swap3A_331] {strides = array<i32>} : memref<8x128xi32, #tpu.memory_space<vmem>>, vector<1x16xi32>,
    %swap3A_333 = vector.shape_cast %swap3A_332 : vector<1x16xi32> to vector<16xi32>
    %swap3A_334 = vector.shape_cast %add3A_328 : vector<16xi32> to vector<1x16xi32>
    tpu.vector_store %arg6[%swap3A_330, %swap3A_331], %swap3A_334 {strides = array<i32>} : memref<8x128xi32, #tpu.memory_space<vmem>>, vector<1x16xi32>,
    %add3A_335 = arith.constant 425984 : i32
    %add3A_336 = vector.broadcast %add3A_335 : i32 to vector<16xi32>
    %add3A_337 = arith.addi %add3A_45, %add3A_336 : vector<16xi32>
    %swap3A_338 = arith.constant 3 : i32
    %swap3A_339 = arith.index_cast %swap3A_338 : i32 to index
    %swap3A_340 = arith.constant 80 : index
    %swap3A_341 = tpu.vector_load %arg6[%swap3A_339, %swap3A_340] {strides = array<i32>} : memref<8x128xi32, #tpu.memory_space<vmem>>, vector<1x16xi32>,
    %swap3A_342 = vector.shape_cast %swap3A_341 : vector<1x16xi32> to vector<16xi32>
    %swap3A_343 = vector.shape_cast %add3A_337 : vector<16xi32> to vector<1x16xi32>
    tpu.vector_store %arg6[%swap3A_339, %swap3A_340], %swap3A_343 {strides = array<i32>} : memref<8x128xi32, #tpu.memory_space<vmem>>, vector<1x16xi32>,
    %add3A_344 = arith.constant 458752 : i32
    %add3A_345 = vector.broadcast %add3A_344 : i32 to vector<16xi32>
    %add3A_346 = arith.addi %add3A_45, %add3A_345 : vector<16xi32>
    %swap3A_347 = arith.constant 3 : i32
    %swap3A_348 = arith.index_cast %swap3A_347 : i32 to index
    %swap3A_349 = arith.constant 96 : index
    %swap3A_350 = tpu.vector_load %arg6[%swap3A_348, %swap3A_349] {strides = array<i32>} : memref<8x128xi32, #tpu.memory_space<vmem>>, vector<1x16xi32>,
    %swap3A_351 = vector.shape_cast %swap3A_350 : vector<1x16xi32> to vector<16xi32>
    %swap3A_352 = vector.shape_cast %add3A_346 : vector<16xi32> to vector<1x16xi32>
    tpu.vector_store %arg6[%swap3A_348, %swap3A_349], %swap3A_352 {strides = array<i32>} : memref<8x128xi32, #tpu.memory_space<vmem>>, vector<1x16xi32>,
    %add3A_353 = arith.constant 491520 : i32
    %add3A_354 = vector.broadcast %add3A_353 : i32 to vector<16xi32>
    %add3A_355 = arith.addi %add3A_45, %add3A_354 : vector<16xi32>
    %swap3A_356 = arith.constant 3 : i32
    %swap3A_357 = arith.index_cast %swap3A_356 : i32 to index
    %swap3A_358 = arith.constant 112 : index
    %swap3A_359 = tpu.vector_load %arg6[%swap3A_357, %swap3A_358] {strides = array<i32>} : memref<8x128xi32, #tpu.memory_space<vmem>>, vector<1x16xi32>,
    %swap3A_360 = vector.shape_cast %swap3A_359 : vector<1x16xi32> to vector<16xi32>
    %swap3A_361 = vector.shape_cast %add3A_355 : vector<16xi32> to vector<1x16xi32>
    tpu.vector_store %arg6[%swap3A_357, %swap3A_358], %swap3A_361 {strides = array<i32>} : memref<8x128xi32, #tpu.memory_space<vmem>>, vector<1x16xi32>,
    %dma_start3A_362 = arith.constant 3 : i32
    %dma_start3A_363 = arith.constant 3 : i32
    %dma_start3A_364 = arith.constant 0 : i32
    %dma_start3A_365 = tpu.memref_slice %arg7[%dma_start3A_363, %dma_start3A_364] : memref<8x128xf32, #tpu.memory_space<vmem>> -> memref<1x128xf32, #tpu.memory_space<vmem>>
    %dma_start3A_366 = tpu.memref_squeeze %dma_start3A_365 : memref<1x128xf32, #tpu.memory_space<vmem>> -> memref<128xf32, #tpu.memory_space<vmem>>
    %dma_start3A_367 = arith.constant 0 : i32
    %dma_start3A_368 = tpu.memref_slice %arg6[%dma_start3A_362, %dma_start3A_367] : memref<8x128xi32, #tpu.memory_space<vmem>> -> memref<1x128xi32, #tpu.memory_space<vmem>>
    %dma_start3A_369 = tpu.memref_squeeze %dma_start3A_368 : memref<1x128xi32, #tpu.memory_space<vmem>> -> memref<128xi32, #tpu.memory_space<vmem>>
    %dma_start3A_370 = arith.constant 0 : i32
    %dma_start3A_371 = tpu.memref_slice %arg2[%dma_start3A_370] : memref<33554432xf32, #tpu.memory_space<hbm>> -> memref<33554432xf32, #tpu.memory_space<hbm>>
    tpu.enqueue_indirect_dma source(%dma_start3A_371 : memref<33554432xf32, #tpu.memory_space<hbm>>) target(%dma_start3A_366 : memref<128xf32, #tpu.memory_space<vmem>>) offsets(%dma_start3A_369 : memref<128xi32, #tpu.memory_space<vmem>>) semaphore(%arg8 : memref<!tpu.dma_semaphore, #tpu.memory_space<semaphore_mem>>)
    %add3A_372 = arith.constant 524288 : i32
    %add3A_373 = vector.broadcast %add3A_372 : i32 to vector<16xi32>
    %add3A_374 = arith.addi %add3A_38, %add3A_373 : vector<16xi32>
    %swap3A_375 = arith.constant 4 : i32
    %swap3A_376 = arith.index_cast %swap3A_375 : i32 to index
    %swap3A_377 = arith.constant 0 : index
    %swap3A_378 = tpu.vector_load %arg6[%swap3A_376, %swap3A_377] {strides = array<i32>} : memref<8x128xi32, #tpu.memory_space<vmem>>, vector<1x16xi32>,
    %swap3A_379 = vector.shape_cast %swap3A_378 : vector<1x16xi32> to vector<16xi32>
    %swap3A_380 = vector.shape_cast %add3A_374 : vector<16xi32> to vector<1x16xi32>
    tpu.vector_store %arg6[%swap3A_376, %swap3A_377], %swap3A_380 {strides = array<i32>} : memref<8x128xi32, #tpu.memory_space<vmem>>, vector<1x16xi32>,
    %add3A_381 = arith.constant 557056 : i32
    %add3A_382 = vector.broadcast %add3A_381 : i32 to vector<16xi32>
    %add3A_383 = arith.addi %add3A_38, %add3A_382 : vector<16xi32>
    %swap3A_384 = arith.constant 4 : i32
    %swap3A_385 = arith.index_cast %swap3A_384 : i32 to index
    %swap3A_386 = arith.constant 16 : index
    %swap3A_387 = tpu.vector_load %arg6[%swap3A_385, %swap3A_386] {strides = array<i32>} : memref<8x128xi32, #tpu.memory_space<vmem>>, vector<1x16xi32>,
    %swap3A_388 = vector.shape_cast %swap3A_387 : vector<1x16xi32> to vector<16xi32>
    %swap3A_389 = vector.shape_cast %add3A_383 : vector<16xi32> to vector<1x16xi32>
    tpu.vector_store %arg6[%swap3A_385, %swap3A_386], %swap3A_389 {strides = array<i32>} : memref<8x128xi32, #tpu.memory_space<vmem>>, vector<1x16xi32>,
    %add3A_390 = arith.constant 589824 : i32
    %add3A_391 = vector.broadcast %add3A_390 : i32 to vector<16xi32>
    %add3A_392 = arith.addi %add3A_38, %add3A_391 : vector<16xi32>
    %swap3A_393 = arith.constant 4 : i32
    %swap3A_394 = arith.index_cast %swap3A_393 : i32 to index
    %swap3A_395 = arith.constant 32 : index
    %swap3A_396 = tpu.vector_load %arg6[%swap3A_394, %swap3A_395] {strides = array<i32>} : memref<8x128xi32, #tpu.memory_space<vmem>>, vector<1x16xi32>,
    %swap3A_397 = vector.shape_cast %swap3A_396 : vector<1x16xi32> to vector<16xi32>
    %swap3A_398 = vector.shape_cast %add3A_392 : vector<16xi32> to vector<1x16xi32>
    tpu.vector_store %arg6[%swap3A_394, %swap3A_395], %swap3A_398 {strides = array<i32>} : memref<8x128xi32, #tpu.memory_space<vmem>>, vector<1x16xi32>,
    %add3A_399 = arith.constant 622592 : i32
    %add3A_400 = vector.broadcast %add3A_399 : i32 to vector<16xi32>
    %add3A_401 = arith.addi %add3A_38, %add3A_400 : vector<16xi32>
    %swap3A_402 = arith.constant 4 : i32
    %swap3A_403 = arith.index_cast %swap3A_402 : i32 to index
    %swap3A_404 = arith.constant 48 : index
    %swap3A_405 = tpu.vector_load %arg6[%swap3A_403, %swap3A_404] {strides = array<i32>} : memref<8x128xi32, #tpu.memory_space<vmem>>, vector<1x16xi32>,
    %swap3A_406 = vector.shape_cast %swap3A_405 : vector<1x16xi32> to vector<16xi32>
    %swap3A_407 = vector.shape_cast %add3A_401 : vector<16xi32> to vector<1x16xi32>
    tpu.vector_store %arg6[%swap3A_403, %swap3A_404], %swap3A_407 {strides = array<i32>} : memref<8x128xi32, #tpu.memory_space<vmem>>, vector<1x16xi32>,
    %add3A_408 = arith.constant 655360 : i32
    %add3A_409 = vector.broadcast %add3A_408 : i32 to vector<16xi32>
    %add3A_410 = arith.addi %add3A_38, %add3A_409 : vector<16xi32>
    %swap3A_411 = arith.constant 4 : i32
    %swap3A_412 = arith.index_cast %swap3A_411 : i32 to index
    %swap3A_413 = arith.constant 64 : index
    %swap3A_414 = tpu.vector_load %arg6[%swap3A_412, %swap3A_413] {strides = array<i32>} : memref<8x128xi32, #tpu.memory_space<vmem>>, vector<1x16xi32>,
    %swap3A_415 = vector.shape_cast %swap3A_414 : vector<1x16xi32> to vector<16xi32>
    %swap3A_416 = vector.shape_cast %add3A_410 : vector<16xi32> to vector<1x16xi32>
    tpu.vector_store %arg6[%swap3A_412, %swap3A_413], %swap3A_416 {strides = array<i32>} : memref<8x128xi32, #tpu.memory_space<vmem>>, vector<1x16xi32>,
    %add3A_417 = arith.constant 688128 : i32
    %add3A_418 = vector.broadcast %add3A_417 : i32 to vector<16xi32>
    %add3A_419 = arith.addi %add3A_38, %add3A_418 : vector<16xi32>
    %swap3A_420 = arith.constant 4 : i32
    %swap3A_421 = arith.index_cast %swap3A_420 : i32 to index
    %swap3A_422 = arith.constant 80 : index
    %swap3A_423 = tpu.vector_load %arg6[%swap3A_421, %swap3A_422] {strides = array<i32>} : memref<8x128xi32, #tpu.memory_space<vmem>>, vector<1x16xi32>,
    %swap3A_424 = vector.shape_cast %swap3A_423 : vector<1x16xi32> to vector<16xi32>
    %swap3A_425 = vector.shape_cast %add3A_419 : vector<16xi32> to vector<1x16xi32>
    tpu.vector_store %arg6[%swap3A_421, %swap3A_422], %swap3A_425 {strides = array<i32>} : memref<8x128xi32, #tpu.memory_space<vmem>>, vector<1x16xi32>,
    %add3A_426 = arith.constant 720896 : i32
    %add3A_427 = vector.broadcast %add3A_426 : i32 to vector<16xi32>
    %add3A_428 = arith.addi %add3A_38, %add3A_427 : vector<16xi32>
    %swap3A_429 = arith.constant 4 : i32
    %swap3A_430 = arith.index_cast %swap3A_429 : i32 to index
    %swap3A_431 = arith.constant 96 : index
    %swap3A_432 = tpu.vector_load %arg6[%swap3A_430, %swap3A_431] {strides = array<i32>} : memref<8x128xi32, #tpu.memory_space<vmem>>, vector<1x16xi32>,
    %swap3A_433 = vector.shape_cast %swap3A_432 : vector<1x16xi32> to vector<16xi32>
    %swap3A_434 = vector.shape_cast %add3A_428 : vector<16xi32> to vector<1x16xi32>
    tpu.vector_store %arg6[%swap3A_430, %swap3A_431], %swap3A_434 {strides = array<i32>} : memref<8x128xi32, #tpu.memory_space<vmem>>, vector<1x16xi32>,
    %add3A_435 = arith.constant 753664 : i32
    %add3A_436 = vector.broadcast %add3A_435 : i32 to vector<16xi32>
    %add3A_437 = arith.addi %add3A_38, %add3A_436 : vector<16xi32>
    %swap3A_438 = arith.constant 4 : i32
    %swap3A_439 = arith.index_cast %swap3A_438 : i32 to index
    %swap3A_440 = arith.constant 112 : index
    %swap3A_441 = tpu.vector_load %arg6[%swap3A_439, %swap3A_440] {strides = array<i32>} : memref<8x128xi32, #tpu.memory_space<vmem>>, vector<1x16xi32>,
    %swap3A_442 = vector.shape_cast %swap3A_441 : vector<1x16xi32> to vector<16xi32>
    %swap3A_443 = vector.shape_cast %add3A_437 : vector<16xi32> to vector<1x16xi32>
    tpu.vector_store %arg6[%swap3A_439, %swap3A_440], %swap3A_443 {strides = array<i32>} : memref<8x128xi32, #tpu.memory_space<vmem>>, vector<1x16xi32>,
    %dma_start3A_444 = arith.constant 4 : i32
    %dma_start3A_445 = arith.constant 4 : i32
    %dma_start3A_446 = arith.constant 0 : i32
    %dma_start3A_447 = tpu.memref_slice %arg7[%dma_start3A_445, %dma_start3A_446] : memref<8x128xf32, #tpu.memory_space<vmem>> -> memref<1x128xf32, #tpu.memory_space<vmem>>
    %dma_start3A_448 = tpu.memref_squeeze %dma_start3A_447 : memref<1x128xf32, #tpu.memory_space<vmem>> -> memref<128xf32, #tpu.memory_space<vmem>>
    %dma_start3A_449 = arith.constant 0 : i32
    %dma_start3A_450 = tpu.memref_slice %arg6[%dma_start3A_444, %dma_start3A_449] : memref<8x128xi32, #tpu.memory_space<vmem>> -> memref<1x128xi32, #tpu.memory_space<vmem>>
    %dma_start3A_451 = tpu.memref_squeeze %dma_start3A_450 : memref<1x128xi32, #tpu.memory_space<vmem>> -> memref<128xi32, #tpu.memory_space<vmem>>
    %dma_start3A_452 = arith.constant 0 : i32
    %dma_start3A_453 = tpu.memref_slice %arg2[%dma_start3A_452] : memref<33554432xf32, #tpu.memory_space<hbm>> -> memref<33554432xf32, #tpu.memory_space<hbm>>
    tpu.enqueue_indirect_dma source(%dma_start3A_453 : memref<33554432xf32, #tpu.memory_space<hbm>>) target(%dma_start3A_448 : memref<128xf32, #tpu.memory_space<vmem>>) offsets(%dma_start3A_451 : memref<128xi32, #tpu.memory_space<vmem>>) semaphore(%arg8 : memref<!tpu.dma_semaphore, #tpu.memory_space<semaphore_mem>>)
    %add3A_454 = arith.constant 524288 : i32
    %add3A_455 = vector.broadcast %add3A_454 : i32 to vector<16xi32>
    %add3A_456 = arith.addi %add3A_45, %add3A_455 : vector<16xi32>
    %swap3A_457 = arith.constant 5 : i32
    %swap3A_458 = arith.index_cast %swap3A_457 : i32 to index
    %swap3A_459 = arith.constant 0 : index
    %swap3A_460 = tpu.vector_load %arg6[%swap3A_458, %swap3A_459] {strides = array<i32>} : memref<8x128xi32, #tpu.memory_space<vmem>>, vector<1x16xi32>,
    %swap3A_461 = vector.shape_cast %swap3A_460 : vector<1x16xi32> to vector<16xi32>
    %swap3A_462 = vector.shape_cast %add3A_456 : vector<16xi32> to vector<1x16xi32>
    tpu.vector_store %arg6[%swap3A_458, %swap3A_459], %swap3A_462 {strides = array<i32>} : memref<8x128xi32, #tpu.memory_space<vmem>>, vector<1x16xi32>,
    %add3A_463 = arith.constant 557056 : i32
    %add3A_464 = vector.broadcast %add3A_463 : i32 to vector<16xi32>
    %add3A_465 = arith.addi %add3A_45, %add3A_464 : vector<16xi32>
    %swap3A_466 = arith.constant 5 : i32
    %swap3A_467 = arith.index_cast %swap3A_466 : i32 to index
    %swap3A_468 = arith.constant 16 : index
    %swap3A_469 = tpu.vector_load %arg6[%swap3A_467, %swap3A_468] {strides = array<i32>} : memref<8x128xi32, #tpu.memory_space<vmem>>, vector<1x16xi32>,
    %swap3A_470 = vector.shape_cast %swap3A_469 : vector<1x16xi32> to vector<16xi32>
    %swap3A_471 = vector.shape_cast %add3A_465 : vector<16xi32> to vector<1x16xi32>
    tpu.vector_store %arg6[%swap3A_467, %swap3A_468], %swap3A_471 {strides = array<i32>} : memref<8x128xi32, #tpu.memory_space<vmem>>, vector<1x16xi32>,
    %add3A_472 = arith.constant 589824 : i32
    %add3A_473 = vector.broadcast %add3A_472 : i32 to vector<16xi32>
    %add3A_474 = arith.addi %add3A_45, %add3A_473 : vector<16xi32>
    %swap3A_475 = arith.constant 5 : i32
    %swap3A_476 = arith.index_cast %swap3A_475 : i32 to index
    %swap3A_477 = arith.constant 32 : index
    %swap3A_478 = tpu.vector_load %arg6[%swap3A_476, %swap3A_477] {strides = array<i32>} : memref<8x128xi32, #tpu.memory_space<vmem>>, vector<1x16xi32>,
    %swap3A_479 = vector.shape_cast %swap3A_478 : vector<1x16xi32> to vector<16xi32>
    %swap3A_480 = vector.shape_cast %add3A_474 : vector<16xi32> to vector<1x16xi32>
    tpu.vector_store %arg6[%swap3A_476, %swap3A_477], %swap3A_480 {strides = array<i32>} : memref<8x128xi32, #tpu.memory_space<vmem>>, vector<1x16xi32>,
    %add3A_481 = arith.constant 622592 : i32
    %add3A_482 = vector.broadcast %add3A_481 : i32 to vector<16xi32>
    %add3A_483 = arith.addi %add3A_45, %add3A_482 : vector<16xi32>
    %swap3A_484 = arith.constant 5 : i32
    %swap3A_485 = arith.index_cast %swap3A_484 : i32 to index
    %swap3A_486 = arith.constant 48 : index
    %swap3A_487 = tpu.vector_load %arg6[%swap3A_485, %swap3A_486] {strides = array<i32>} : memref<8x128xi32, #tpu.memory_space<vmem>>, vector<1x16xi32>,
    %swap3A_488 = vector.shape_cast %swap3A_487 : vector<1x16xi32> to vector<16xi32>
    %swap3A_489 = vector.shape_cast %add3A_483 : vector<16xi32> to vector<1x16xi32>
    tpu.vector_store %arg6[%swap3A_485, %swap3A_486], %swap3A_489 {strides = array<i32>} : memref<8x128xi32, #tpu.memory_space<vmem>>, vector<1x16xi32>,
    %add3A_490 = arith.constant 655360 : i32
    %add3A_491 = vector.broadcast %add3A_490 : i32 to vector<16xi32>
    %add3A_492 = arith.addi %add3A_45, %add3A_491 : vector<16xi32>
    %swap3A_493 = arith.constant 5 : i32
    %swap3A_494 = arith.index_cast %swap3A_493 : i32 to index
    %swap3A_495 = arith.constant 64 : index
    %swap3A_496 = tpu.vector_load %arg6[%swap3A_494, %swap3A_495] {strides = array<i32>} : memref<8x128xi32, #tpu.memory_space<vmem>>, vector<1x16xi32>,
    %swap3A_497 = vector.shape_cast %swap3A_496 : vector<1x16xi32> to vector<16xi32>
    %swap3A_498 = vector.shape_cast %add3A_492 : vector<16xi32> to vector<1x16xi32>
    tpu.vector_store %arg6[%swap3A_494, %swap3A_495], %swap3A_498 {strides = array<i32>} : memref<8x128xi32, #tpu.memory_space<vmem>>, vector<1x16xi32>,
    %add3A_499 = arith.constant 688128 : i32
    %add3A_500 = vector.broadcast %add3A_499 : i32 to vector<16xi32>
    %add3A_501 = arith.addi %add3A_45, %add3A_500 : vector<16xi32>
    %swap3A_502 = arith.constant 5 : i32
    %swap3A_503 = arith.index_cast %swap3A_502 : i32 to index
    %swap3A_504 = arith.constant 80 : index
    %swap3A_505 = tpu.vector_load %arg6[%swap3A_503, %swap3A_504] {strides = array<i32>} : memref<8x128xi32, #tpu.memory_space<vmem>>, vector<1x16xi32>,
    %swap3A_506 = vector.shape_cast %swap3A_505 : vector<1x16xi32> to vector<16xi32>
    %swap3A_507 = vector.shape_cast %add3A_501 : vector<16xi32> to vector<1x16xi32>
    tpu.vector_store %arg6[%swap3A_503, %swap3A_504], %swap3A_507 {strides = array<i32>} : memref<8x128xi32, #tpu.memory_space<vmem>>, vector<1x16xi32>,
    %add3A_508 = arith.constant 720896 : i32
    %add3A_509 = vector.broadcast %add3A_508 : i32 to vector<16xi32>
    %add3A_510 = arith.addi %add3A_45, %add3A_509 : vector<16xi32>
    %swap3A_511 = arith.constant 5 : i32
    %swap3A_512 = arith.index_cast %swap3A_511 : i32 to index
    %swap3A_513 = arith.constant 96 : index
    %swap3A_514 = tpu.vector_load %arg6[%swap3A_512, %swap3A_513] {strides = array<i32>} : memref<8x128xi32, #tpu.memory_space<vmem>>, vector<1x16xi32>,
    %swap3A_515 = vector.shape_cast %swap3A_514 : vector<1x16xi32> to vector<16xi32>
    %swap3A_516 = vector.shape_cast %add3A_510 : vector<16xi32> to vector<1x16xi32>
    tpu.vector_store %arg6[%swap3A_512, %swap3A_513], %swap3A_516 {strides = array<i32>} : memref<8x128xi32, #tpu.memory_space<vmem>>, vector<1x16xi32>,
    %add3A_517 = arith.constant 753664 : i32
    %add3A_518 = vector.broadcast %add3A_517 : i32 to vector<16xi32>
    %add3A_519 = arith.addi %add3A_45, %add3A_518 : vector<16xi32>
    %swap3A_520 = arith.constant 5 : i32
    %swap3A_521 = arith.index_cast %swap3A_520 : i32 to index
    %swap3A_522 = arith.constant 112 : index
    %swap3A_523 = tpu.vector_load %arg6[%swap3A_521, %swap3A_522] {strides = array<i32>} : memref<8x128xi32, #tpu.memory_space<vmem>>, vector<1x16xi32>,
    %swap3A_524 = vector.shape_cast %swap3A_523 : vector<1x16xi32> to vector<16xi32>
    %swap3A_525 = vector.shape_cast %add3A_519 : vector<16xi32> to vector<1x16xi32>
    tpu.vector_store %arg6[%swap3A_521, %swap3A_522], %swap3A_525 {strides = array<i32>} : memref<8x128xi32, #tpu.memory_space<vmem>>, vector<1x16xi32>,
    %dma_start3A_526 = arith.constant 5 : i32
    %dma_start3A_527 = arith.constant 5 : i32
    %dma_start3A_528 = arith.constant 0 : i32
    %dma_start3A_529 = tpu.memref_slice %arg7[%dma_start3A_527, %dma_start3A_528] : memref<8x128xf32, #tpu.memory_space<vmem>> -> memref<1x128xf32, #tpu.memory_space<vmem>>
    %dma_start3A_530 = tpu.memref_squeeze %dma_start3A_529 : memref<1x128xf32, #tpu.memory_space<vmem>> -> memref<128xf32, #tpu.memory_space<vmem>>
    %dma_start3A_531 = arith.constant 0 : i32
    %dma_start3A_532 = tpu.memref_slice %arg6[%dma_start3A_526, %dma_start3A_531] : memref<8x128xi32, #tpu.memory_space<vmem>> -> memref<1x128xi32, #tpu.memory_space<vmem>>
    %dma_start3A_533 = tpu.memref_squeeze %dma_start3A_532 : memref<1x128xi32, #tpu.memory_space<vmem>> -> memref<128xi32, #tpu.memory_space<vmem>>
    %dma_start3A_534 = arith.constant 0 : i32
    %dma_start3A_535 = tpu.memref_slice %arg2[%dma_start3A_534] : memref<33554432xf32, #tpu.memory_space<hbm>> -> memref<33554432xf32, #tpu.memory_space<hbm>>
    tpu.enqueue_indirect_dma source(%dma_start3A_535 : memref<33554432xf32, #tpu.memory_space<hbm>>) target(%dma_start3A_530 : memref<128xf32, #tpu.memory_space<vmem>>) offsets(%dma_start3A_533 : memref<128xi32, #tpu.memory_space<vmem>>) semaphore(%arg8 : memref<!tpu.dma_semaphore, #tpu.memory_space<semaphore_mem>>)
    %add3A_536 = arith.constant 786432 : i32
    %add3A_537 = vector.broadcast %add3A_536 : i32 to vector<16xi32>
    %add3A_538 = arith.addi %add3A_38, %add3A_537 : vector<16xi32>
    %swap3A_539 = arith.constant 6 : i32
    %swap3A_540 = arith.index_cast %swap3A_539 : i32 to index
    %swap3A_541 = arith.constant 0 : index
    %swap3A_542 = tpu.vector_load %arg6[%swap3A_540, %swap3A_541] {strides = array<i32>} : memref<8x128xi32, #tpu.memory_space<vmem>>, vector<1x16xi32>,
    %swap3A_543 = vector.shape_cast %swap3A_542 : vector<1x16xi32> to vector<16xi32>
    %swap3A_544 = vector.shape_cast %add3A_538 : vector<16xi32> to vector<1x16xi32>
    tpu.vector_store %arg6[%swap3A_540, %swap3A_541], %swap3A_544 {strides = array<i32>} : memref<8x128xi32, #tpu.memory_space<vmem>>, vector<1x16xi32>,
    %add3A_545 = arith.constant 819200 : i32
    %add3A_546 = vector.broadcast %add3A_545 : i32 to vector<16xi32>
    %add3A_547 = arith.addi %add3A_38, %add3A_546 : vector<16xi32>
    %swap3A_548 = arith.constant 6 : i32
    %swap3A_549 = arith.index_cast %swap3A_548 : i32 to index
    %swap3A_550 = arith.constant 16 : index
    %swap3A_551 = tpu.vector_load %arg6[%swap3A_549, %swap3A_550] {strides = array<i32>} : memref<8x128xi32, #tpu.memory_space<vmem>>, vector<1x16xi32>,
    %swap3A_552 = vector.shape_cast %swap3A_551 : vector<1x16xi32> to vector<16xi32>
    %swap3A_553 = vector.shape_cast %add3A_547 : vector<16xi32> to vector<1x16xi32>
    tpu.vector_store %arg6[%swap3A_549, %swap3A_550], %swap3A_553 {strides = array<i32>} : memref<8x128xi32, #tpu.memory_space<vmem>>, vector<1x16xi32>,
    %add3A_554 = arith.constant 851968 : i32
    %add3A_555 = vector.broadcast %add3A_554 : i32 to vector<16xi32>
    %add3A_556 = arith.addi %add3A_38, %add3A_555 : vector<16xi32>
    %swap3A_557 = arith.constant 6 : i32
    %swap3A_558 = arith.index_cast %swap3A_557 : i32 to index
    %swap3A_559 = arith.constant 32 : index
    %swap3A_560 = tpu.vector_load %arg6[%swap3A_558, %swap3A_559] {strides = array<i32>} : memref<8x128xi32, #tpu.memory_space<vmem>>, vector<1x16xi32>,
    %swap3A_561 = vector.shape_cast %swap3A_560 : vector<1x16xi32> to vector<16xi32>
    %swap3A_562 = vector.shape_cast %add3A_556 : vector<16xi32> to vector<1x16xi32>
    tpu.vector_store %arg6[%swap3A_558, %swap3A_559], %swap3A_562 {strides = array<i32>} : memref<8x128xi32, #tpu.memory_space<vmem>>, vector<1x16xi32>,
    %add3A_563 = arith.constant 884736 : i32
    %add3A_564 = vector.broadcast %add3A_563 : i32 to vector<16xi32>
    %add3A_565 = arith.addi %add3A_38, %add3A_564 : vector<16xi32>
    %swap3A_566 = arith.constant 6 : i32
    %swap3A_567 = arith.index_cast %swap3A_566 : i32 to index
    %swap3A_568 = arith.constant 48 : index
    %swap3A_569 = tpu.vector_load %arg6[%swap3A_567, %swap3A_568] {strides = array<i32>} : memref<8x128xi32, #tpu.memory_space<vmem>>, vector<1x16xi32>,
    %swap3A_570 = vector.shape_cast %swap3A_569 : vector<1x16xi32> to vector<16xi32>
    %swap3A_571 = vector.shape_cast %add3A_565 : vector<16xi32> to vector<1x16xi32>
    tpu.vector_store %arg6[%swap3A_567, %swap3A_568], %swap3A_571 {strides = array<i32>} : memref<8x128xi32, #tpu.memory_space<vmem>>, vector<1x16xi32>,
    %add3A_572 = arith.constant 917504 : i32
    %add3A_573 = vector.broadcast %add3A_572 : i32 to vector<16xi32>
    %add3A_574 = arith.addi %add3A_38, %add3A_573 : vector<16xi32>
    %swap3A_575 = arith.constant 6 : i32
    %swap3A_576 = arith.index_cast %swap3A_575 : i32 to index
    %swap3A_577 = arith.constant 64 : index
    %swap3A_578 = tpu.vector_load %arg6[%swap3A_576, %swap3A_577] {strides = array<i32>} : memref<8x128xi32, #tpu.memory_space<vmem>>, vector<1x16xi32>,
    %swap3A_579 = vector.shape_cast %swap3A_578 : vector<1x16xi32> to vector<16xi32>
    %swap3A_580 = vector.shape_cast %add3A_574 : vector<16xi32> to vector<1x16xi32>
    tpu.vector_store %arg6[%swap3A_576, %swap3A_577], %swap3A_580 {strides = array<i32>} : memref<8x128xi32, #tpu.memory_space<vmem>>, vector<1x16xi32>,
    %add3A_581 = arith.constant 950272 : i32
    %add3A_582 = vector.broadcast %add3A_581 : i32 to vector<16xi32>
    %add3A_583 = arith.addi %add3A_38, %add3A_582 : vector<16xi32>
    %swap3A_584 = arith.constant 6 : i32
    %swap3A_585 = arith.index_cast %swap3A_584 : i32 to index
    %swap3A_586 = arith.constant 80 : index
    %swap3A_587 = tpu.vector_load %arg6[%swap3A_585, %swap3A_586] {strides = array<i32>} : memref<8x128xi32, #tpu.memory_space<vmem>>, vector<1x16xi32>,
    %swap3A_588 = vector.shape_cast %swap3A_587 : vector<1x16xi32> to vector<16xi32>
    %swap3A_589 = vector.shape_cast %add3A_583 : vector<16xi32> to vector<1x16xi32>
    tpu.vector_store %arg6[%swap3A_585, %swap3A_586], %swap3A_589 {strides = array<i32>} : memref<8x128xi32, #tpu.memory_space<vmem>>, vector<1x16xi32>,
    %add3A_590 = arith.constant 983040 : i32
    %add3A_591 = vector.broadcast %add3A_590 : i32 to vector<16xi32>
    %add3A_592 = arith.addi %add3A_38, %add3A_591 : vector<16xi32>
    %swap3A_593 = arith.constant 6 : i32
    %swap3A_594 = arith.index_cast %swap3A_593 : i32 to index
    %swap3A_595 = arith.constant 96 : index
    %swap3A_596 = tpu.vector_load %arg6[%swap3A_594, %swap3A_595] {strides = array<i32>} : memref<8x128xi32, #tpu.memory_space<vmem>>, vector<1x16xi32>,
    %swap3A_597 = vector.shape_cast %swap3A_596 : vector<1x16xi32> to vector<16xi32>
    %swap3A_598 = vector.shape_cast %add3A_592 : vector<16xi32> to vector<1x16xi32>
    tpu.vector_store %arg6[%swap3A_594, %swap3A_595], %swap3A_598 {strides = array<i32>} : memref<8x128xi32, #tpu.memory_space<vmem>>, vector<1x16xi32>,
    %add3A_599 = arith.constant 1015808 : i32
    %add3A_600 = vector.broadcast %add3A_599 : i32 to vector<16xi32>
    %add3A_601 = arith.addi %add3A_38, %add3A_600 : vector<16xi32>
    %swap3A_602 = arith.constant 6 : i32
    %swap3A_603 = arith.index_cast %swap3A_602 : i32 to index
    %swap3A_604 = arith.constant 112 : index
    %swap3A_605 = tpu.vector_load %arg6[%swap3A_603, %swap3A_604] {strides = array<i32>} : memref<8x128xi32, #tpu.memory_space<vmem>>, vector<1x16xi32>,
    %swap3A_606 = vector.shape_cast %swap3A_605 : vector<1x16xi32> to vector<16xi32>
    %swap3A_607 = vector.shape_cast %add3A_601 : vector<16xi32> to vector<1x16xi32>
    tpu.vector_store %arg6[%swap3A_603, %swap3A_604], %swap3A_607 {strides = array<i32>} : memref<8x128xi32, #tpu.memory_space<vmem>>, vector<1x16xi32>,
    %dma_start3A_608 = arith.constant 6 : i32
    %dma_start3A_609 = arith.constant 6 : i32
    %dma_start3A_610 = arith.constant 0 : i32
    %dma_start3A_611 = tpu.memref_slice %arg7[%dma_start3A_609, %dma_start3A_610] : memref<8x128xf32, #tpu.memory_space<vmem>> -> memref<1x128xf32, #tpu.memory_space<vmem>>
    %dma_start3A_612 = tpu.memref_squeeze %dma_start3A_611 : memref<1x128xf32, #tpu.memory_space<vmem>> -> memref<128xf32, #tpu.memory_space<vmem>>
    %dma_start3A_613 = arith.constant 0 : i32
    %dma_start3A_614 = tpu.memref_slice %arg6[%dma_start3A_608, %dma_start3A_613] : memref<8x128xi32, #tpu.memory_space<vmem>> -> memref<1x128xi32, #tpu.memory_space<vmem>>
    %dma_start3A_615 = tpu.memref_squeeze %dma_start3A_614 : memref<1x128xi32, #tpu.memory_space<vmem>> -> memref<128xi32, #tpu.memory_space<vmem>>
    %dma_start3A_616 = arith.constant 0 : i32
    %dma_start3A_617 = tpu.memref_slice %arg2[%dma_start3A_616] : memref<33554432xf32, #tpu.memory_space<hbm>> -> memref<33554432xf32, #tpu.memory_space<hbm>>
    tpu.enqueue_indirect_dma source(%dma_start3A_617 : memref<33554432xf32, #tpu.memory_space<hbm>>) target(%dma_start3A_612 : memref<128xf32, #tpu.memory_space<vmem>>) offsets(%dma_start3A_615 : memref<128xi32, #tpu.memory_space<vmem>>) semaphore(%arg8 : memref<!tpu.dma_semaphore, #tpu.memory_space<semaphore_mem>>)
    %add3A_618 = arith.constant 786432 : i32
    %add3A_619 = vector.broadcast %add3A_618 : i32 to vector<16xi32>
    %add3A_620 = arith.addi %add3A_45, %add3A_619 : vector<16xi32>
    %swap3A_621 = arith.constant 7 : i32
    %swap3A_622 = arith.index_cast %swap3A_621 : i32 to index
    %swap3A_623 = arith.constant 0 : index
    %swap3A_624 = tpu.vector_load %arg6[%swap3A_622, %swap3A_623] {strides = array<i32>} : memref<8x128xi32, #tpu.memory_space<vmem>>, vector<1x16xi32>,
    %swap3A_625 = vector.shape_cast %swap3A_624 : vector<1x16xi32> to vector<16xi32>
    %swap3A_626 = vector.shape_cast %add3A_620 : vector<16xi32> to vector<1x16xi32>
    tpu.vector_store %arg6[%swap3A_622, %swap3A_623], %swap3A_626 {strides = array<i32>} : memref<8x128xi32, #tpu.memory_space<vmem>>, vector<1x16xi32>,
    %add3A_627 = arith.constant 819200 : i32
    %add3A_628 = vector.broadcast %add3A_627 : i32 to vector<16xi32>
    %add3A_629 = arith.addi %add3A_45, %add3A_628 : vector<16xi32>
    %swap3A_630 = arith.constant 7 : i32
    %swap3A_631 = arith.index_cast %swap3A_630 : i32 to index
    %swap3A_632 = arith.constant 16 : index
    %swap3A_633 = tpu.vector_load %arg6[%swap3A_631, %swap3A_632] {strides = array<i32>} : memref<8x128xi32, #tpu.memory_space<vmem>>, vector<1x16xi32>,
    %swap3A_634 = vector.shape_cast %swap3A_633 : vector<1x16xi32> to vector<16xi32>
    %swap3A_635 = vector.shape_cast %add3A_629 : vector<16xi32> to vector<1x16xi32>
    tpu.vector_store %arg6[%swap3A_631, %swap3A_632], %swap3A_635 {strides = array<i32>} : memref<8x128xi32, #tpu.memory_space<vmem>>, vector<1x16xi32>,
    %add3A_636 = arith.constant 851968 : i32
    %add3A_637 = vector.broadcast %add3A_636 : i32 to vector<16xi32>
    %add3A_638 = arith.addi %add3A_45, %add3A_637 : vector<16xi32>
    %swap3A_639 = arith.constant 7 : i32
    %swap3A_640 = arith.index_cast %swap3A_639 : i32 to index
    %swap3A_641 = arith.constant 32 : index
    %swap3A_642 = tpu.vector_load %arg6[%swap3A_640, %swap3A_641] {strides = array<i32>} : memref<8x128xi32, #tpu.memory_space<vmem>>, vector<1x16xi32>,
    %swap3A_643 = vector.shape_cast %swap3A_642 : vector<1x16xi32> to vector<16xi32>
    %swap3A_644 = vector.shape_cast %add3A_638 : vector<16xi32> to vector<1x16xi32>
    tpu.vector_store %arg6[%swap3A_640, %swap3A_641], %swap3A_644 {strides = array<i32>} : memref<8x128xi32, #tpu.memory_space<vmem>>, vector<1x16xi32>,
    %add3A_645 = arith.constant 884736 : i32
    %add3A_646 = vector.broadcast %add3A_645 : i32 to vector<16xi32>
    %add3A_647 = arith.addi %add3A_45, %add3A_646 : vector<16xi32>
    %swap3A_648 = arith.constant 7 : i32
    %swap3A_649 = arith.index_cast %swap3A_648 : i32 to index
    %swap3A_650 = arith.constant 48 : index
    %swap3A_651 = tpu.vector_load %arg6[%swap3A_649, %swap3A_650] {strides = array<i32>} : memref<8x128xi32, #tpu.memory_space<vmem>>, vector<1x16xi32>,
    %swap3A_652 = vector.shape_cast %swap3A_651 : vector<1x16xi32> to vector<16xi32>
    %swap3A_653 = vector.shape_cast %add3A_647 : vector<16xi32> to vector<1x16xi32>
    tpu.vector_store %arg6[%swap3A_649, %swap3A_650], %swap3A_653 {strides = array<i32>} : memref<8x128xi32, #tpu.memory_space<vmem>>, vector<1x16xi32>,
    %add3A_654 = arith.constant 917504 : i32
    %add3A_655 = vector.broadcast %add3A_654 : i32 to vector<16xi32>
    %add3A_656 = arith.addi %add3A_45, %add3A_655 : vector<16xi32>
    %swap3A_657 = arith.constant 7 : i32
    %swap3A_658 = arith.index_cast %swap3A_657 : i32 to index
    %swap3A_659 = arith.constant 64 : index
    %swap3A_660 = tpu.vector_load %arg6[%swap3A_658, %swap3A_659] {strides = array<i32>} : memref<8x128xi32, #tpu.memory_space<vmem>>, vector<1x16xi32>,
    %swap3A_661 = vector.shape_cast %swap3A_660 : vector<1x16xi32> to vector<16xi32>
    %swap3A_662 = vector.shape_cast %add3A_656 : vector<16xi32> to vector<1x16xi32>
    tpu.vector_store %arg6[%swap3A_658, %swap3A_659], %swap3A_662 {strides = array<i32>} : memref<8x128xi32, #tpu.memory_space<vmem>>, vector<1x16xi32>,
    %add3A_663 = arith.constant 950272 : i32
    %add3A_664 = vector.broadcast %add3A_663 : i32 to vector<16xi32>
    %add3A_665 = arith.addi %add3A_45, %add3A_664 : vector<16xi32>
    %swap3A_666 = arith.constant 7 : i32
    %swap3A_667 = arith.index_cast %swap3A_666 : i32 to index
    %swap3A_668 = arith.constant 80 : index
    %swap3A_669 = tpu.vector_load %arg6[%swap3A_667, %swap3A_668] {strides = array<i32>} : memref<8x128xi32, #tpu.memory_space<vmem>>, vector<1x16xi32>,
    %swap3A_670 = vector.shape_cast %swap3A_669 : vector<1x16xi32> to vector<16xi32>
    %swap3A_671 = vector.shape_cast %add3A_665 : vector<16xi32> to vector<1x16xi32>
    tpu.vector_store %arg6[%swap3A_667, %swap3A_668], %swap3A_671 {strides = array<i32>} : memref<8x128xi32, #tpu.memory_space<vmem>>, vector<1x16xi32>,
    %add3A_672 = arith.constant 983040 : i32
    %add3A_673 = vector.broadcast %add3A_672 : i32 to vector<16xi32>
    %add3A_674 = arith.addi %add3A_45, %add3A_673 : vector<16xi32>
    %swap3A_675 = arith.constant 7 : i32
    %swap3A_676 = arith.index_cast %swap3A_675 : i32 to index
    %swap3A_677 = arith.constant 96 : index
    %swap3A_678 = tpu.vector_load %arg6[%swap3A_676, %swap3A_677] {strides = array<i32>} : memref<8x128xi32, #tpu.memory_space<vmem>>, vector<1x16xi32>,
    %swap3A_679 = vector.shape_cast %swap3A_678 : vector<1x16xi32> to vector<16xi32>
    %swap3A_680 = vector.shape_cast %add3A_674 : vector<16xi32> to vector<1x16xi32>
    tpu.vector_store %arg6[%swap3A_676, %swap3A_677], %swap3A_680 {strides = array<i32>} : memref<8x128xi32, #tpu.memory_space<vmem>>, vector<1x16xi32>,
    %add3A_681 = arith.constant 1015808 : i32
    %add3A_682 = vector.broadcast %add3A_681 : i32 to vector<16xi32>
    %add3A_683 = arith.addi %add3A_45, %add3A_682 : vector<16xi32>
    %swap3A_684 = arith.constant 7 : i32
    %swap3A_685 = arith.index_cast %swap3A_684 : i32 to index
    %swap3A_686 = arith.constant 112 : index
    %swap3A_687 = tpu.vector_load %arg6[%swap3A_685, %swap3A_686] {strides = array<i32>} : memref<8x128xi32, #tpu.memory_space<vmem>>, vector<1x16xi32>,
    %swap3A_688 = vector.shape_cast %swap3A_687 : vector<1x16xi32> to vector<16xi32>
    %swap3A_689 = vector.shape_cast %add3A_683 : vector<16xi32> to vector<1x16xi32>
    tpu.vector_store %arg6[%swap3A_685, %swap3A_686], %swap3A_689 {strides = array<i32>} : memref<8x128xi32, #tpu.memory_space<vmem>>, vector<1x16xi32>,
    %dma_start3A_690 = arith.constant 7 : i32
    %dma_start3A_691 = arith.constant 7 : i32
    %dma_start3A_692 = arith.constant 0 : i32
    %dma_start3A_693 = tpu.memref_slice %arg7[%dma_start3A_691, %dma_start3A_692] : memref<8x128xf32, #tpu.memory_space<vmem>> -> memref<1x128xf32, #tpu.memory_space<vmem>>
    %dma_start3A_694 = tpu.memref_squeeze %dma_start3A_693 : memref<1x128xf32, #tpu.memory_space<vmem>> -> memref<128xf32, #tpu.memory_space<vmem>>
    %dma_start3A_695 = arith.constant 0 : i32
    %dma_start3A_696 = tpu.memref_slice %arg6[%dma_start3A_690, %dma_start3A_695] : memref<8x128xi32, #tpu.memory_space<vmem>> -> memref<1x128xi32, #tpu.memory_space<vmem>>
    %dma_start3A_697 = tpu.memref_squeeze %dma_start3A_696 : memref<1x128xi32, #tpu.memory_space<vmem>> -> memref<128xi32, #tpu.memory_space<vmem>>
    %dma_start3A_698 = arith.constant 0 : i32
    %dma_start3A_699 = tpu.memref_slice %arg2[%dma_start3A_698] : memref<33554432xf32, #tpu.memory_space<hbm>> -> memref<33554432xf32, #tpu.memory_space<hbm>>
    tpu.enqueue_indirect_dma source(%dma_start3A_699 : memref<33554432xf32, #tpu.memory_space<hbm>>) target(%dma_start3A_694 : memref<128xf32, #tpu.memory_space<vmem>>) offsets(%dma_start3A_697 : memref<128xi32, #tpu.memory_space<vmem>>) semaphore(%arg8 : memref<!tpu.dma_semaphore, #tpu.memory_space<semaphore_mem>>)
    %dma_wait3A = arith.constant 0 : i32
    %dma_wait3A_700 = arith.constant 0 : i32
    %dma_wait3A_701 = arith.constant 0 : i32
    %dma_wait3A_702 = tpu.memref_slice %arg7[%dma_wait3A_700, %dma_wait3A_701] : memref<8x128xf32, #tpu.memory_space<vmem>> -> memref<1x128xf32, #tpu.memory_space<vmem>>
    %dma_wait3A_703 = tpu.memref_squeeze %dma_wait3A_702 : memref<1x128xf32, #tpu.memory_space<vmem>> -> memref<128xf32, #tpu.memory_space<vmem>>
    %dma_wait3A_704 = arith.constant 0 : i32
    %dma_wait3A_705 = tpu.memref_slice %arg6[%dma_wait3A, %dma_wait3A_704] : memref<8x128xi32, #tpu.memory_space<vmem>> -> memref<1x128xi32, #tpu.memory_space<vmem>>
    %dma_wait3A_706 = tpu.memref_squeeze %dma_wait3A_705 : memref<1x128xi32, #tpu.memory_space<vmem>> -> memref<128xi32, #tpu.memory_space<vmem>>
    %dma_wait3A_707 = arith.constant 0 : i32
    %dma_wait3A_708 = tpu.memref_slice %arg2[%dma_wait3A_707] : memref<33554432xf32, #tpu.memory_space<hbm>> -> memref<33554432xf32, #tpu.memory_space<hbm>>
    tpu.wait_indirect_dma semaphore(%arg8 : memref<!tpu.dma_semaphore, #tpu.memory_space<semaphore_mem>>) src(%dma_wait3A_708 : memref<33554432xf32, #tpu.memory_space<hbm>>) dst(%dma_wait3A_703 : memref<128xf32, #tpu.memory_space<vmem>>)
    %dma_wait3A_709 = arith.constant 1 : i32
    %dma_wait3A_710 = arith.constant 1 : i32
    %dma_wait3A_711 = arith.constant 0 : i32
    %dma_wait3A_712 = tpu.memref_slice %arg7[%dma_wait3A_710, %dma_wait3A_711] : memref<8x128xf32, #tpu.memory_space<vmem>> -> memref<1x128xf32, #tpu.memory_space<vmem>>
    %dma_wait3A_713 = tpu.memref_squeeze %dma_wait3A_712 : memref<1x128xf32, #tpu.memory_space<vmem>> -> memref<128xf32, #tpu.memory_space<vmem>>
    %dma_wait3A_714 = arith.constant 0 : i32
    %dma_wait3A_715 = tpu.memref_slice %arg6[%dma_wait3A_709, %dma_wait3A_714] : memref<8x128xi32, #tpu.memory_space<vmem>> -> memref<1x128xi32, #tpu.memory_space<vmem>>
    %dma_wait3A_716 = tpu.memref_squeeze %dma_wait3A_715 : memref<1x128xi32, #tpu.memory_space<vmem>> -> memref<128xi32, #tpu.memory_space<vmem>>
    %dma_wait3A_717 = arith.constant 0 : i32
    %dma_wait3A_718 = tpu.memref_slice %arg2[%dma_wait3A_717] : memref<33554432xf32, #tpu.memory_space<hbm>> -> memref<33554432xf32, #tpu.memory_space<hbm>>
    tpu.wait_indirect_dma semaphore(%arg8 : memref<!tpu.dma_semaphore, #tpu.memory_space<semaphore_mem>>) src(%dma_wait3A_718 : memref<33554432xf32, #tpu.memory_space<hbm>>) dst(%dma_wait3A_713 : memref<128xf32, #tpu.memory_space<vmem>>)
    %dma_wait3A_719 = arith.constant 2 : i32
    %dma_wait3A_720 = arith.constant 2 : i32
    %dma_wait3A_721 = arith.constant 0 : i32
    %dma_wait3A_722 = tpu.memref_slice %arg7[%dma_wait3A_720, %dma_wait3A_721] : memref<8x128xf32, #tpu.memory_space<vmem>> -> memref<1x128xf32, #tpu.memory_space<vmem>>
    %dma_wait3A_723 = tpu.memref_squeeze %dma_wait3A_722 : memref<1x128xf32, #tpu.memory_space<vmem>> -> memref<128xf32, #tpu.memory_space<vmem>>
    %dma_wait3A_724 = arith.constant 0 : i32
    %dma_wait3A_725 = tpu.memref_slice %arg6[%dma_wait3A_719, %dma_wait3A_724] : memref<8x128xi32, #tpu.memory_space<vmem>> -> memref<1x128xi32, #tpu.memory_space<vmem>>
    %dma_wait3A_726 = tpu.memref_squeeze %dma_wait3A_725 : memref<1x128xi32, #tpu.memory_space<vmem>> -> memref<128xi32, #tpu.memory_space<vmem>>
    %dma_wait3A_727 = arith.constant 0 : i32
    %dma_wait3A_728 = tpu.memref_slice %arg2[%dma_wait3A_727] : memref<33554432xf32, #tpu.memory_space<hbm>> -> memref<33554432xf32, #tpu.memory_space<hbm>>
    tpu.wait_indirect_dma semaphore(%arg8 : memref<!tpu.dma_semaphore, #tpu.memory_space<semaphore_mem>>) src(%dma_wait3A_728 : memref<33554432xf32, #tpu.memory_space<hbm>>) dst(%dma_wait3A_723 : memref<128xf32, #tpu.memory_space<vmem>>)
    %dma_wait3A_729 = arith.constant 3 : i32
    %dma_wait3A_730 = arith.constant 3 : i32
    %dma_wait3A_731 = arith.constant 0 : i32
    %dma_wait3A_732 = tpu.memref_slice %arg7[%dma_wait3A_730, %dma_wait3A_731] : memref<8x128xf32, #tpu.memory_space<vmem>> -> memref<1x128xf32, #tpu.memory_space<vmem>>
    %dma_wait3A_733 = tpu.memref_squeeze %dma_wait3A_732 : memref<1x128xf32, #tpu.memory_space<vmem>> -> memref<128xf32, #tpu.memory_space<vmem>>
    %dma_wait3A_734 = arith.constant 0 : i32
    %dma_wait3A_735 = tpu.memref_slice %arg6[%dma_wait3A_729, %dma_wait3A_734] : memref<8x128xi32, #tpu.memory_space<vmem>> -> memref<1x128xi32, #tpu.memory_space<vmem>>
    %dma_wait3A_736 = tpu.memref_squeeze %dma_wait3A_735 : memref<1x128xi32, #tpu.memory_space<vmem>> -> memref<128xi32, #tpu.memory_space<vmem>>
    %dma_wait3A_737 = arith.constant 0 : i32
    %dma_wait3A_738 = tpu.memref_slice %arg2[%dma_wait3A_737] : memref<33554432xf32, #tpu.memory_space<hbm>> -> memref<33554432xf32, #tpu.memory_space<hbm>>
    tpu.wait_indirect_dma semaphore(%arg8 : memref<!tpu.dma_semaphore, #tpu.memory_space<semaphore_mem>>) src(%dma_wait3A_738 : memref<33554432xf32, #tpu.memory_space<hbm>>) dst(%dma_wait3A_733 : memref<128xf32, #tpu.memory_space<vmem>>)
    %dma_wait3A_739 = arith.constant 4 : i32
    %dma_wait3A_740 = arith.constant 4 : i32
    %dma_wait3A_741 = arith.constant 0 : i32
    %dma_wait3A_742 = tpu.memref_slice %arg7[%dma_wait3A_740, %dma_wait3A_741] : memref<8x128xf32, #tpu.memory_space<vmem>> -> memref<1x128xf32, #tpu.memory_space<vmem>>
    %dma_wait3A_743 = tpu.memref_squeeze %dma_wait3A_742 : memref<1x128xf32, #tpu.memory_space<vmem>> -> memref<128xf32, #tpu.memory_space<vmem>>
    %dma_wait3A_744 = arith.constant 0 : i32
    %dma_wait3A_745 = tpu.memref_slice %arg6[%dma_wait3A_739, %dma_wait3A_744] : memref<8x128xi32, #tpu.memory_space<vmem>> -> memref<1x128xi32, #tpu.memory_space<vmem>>
    %dma_wait3A_746 = tpu.memref_squeeze %dma_wait3A_745 : memref<1x128xi32, #tpu.memory_space<vmem>> -> memref<128xi32, #tpu.memory_space<vmem>>
    %dma_wait3A_747 = arith.constant 0 : i32
    %dma_wait3A_748 = tpu.memref_slice %arg2[%dma_wait3A_747] : memref<33554432xf32, #tpu.memory_space<hbm>> -> memref<33554432xf32, #tpu.memory_space<hbm>>
    tpu.wait_indirect_dma semaphore(%arg8 : memref<!tpu.dma_semaphore, #tpu.memory_space<semaphore_mem>>) src(%dma_wait3A_748 : memref<33554432xf32, #tpu.memory_space<hbm>>) dst(%dma_wait3A_743 : memref<128xf32, #tpu.memory_space<vmem>>)
    %dma_wait3A_749 = arith.constant 5 : i32
    %dma_wait3A_750 = arith.constant 5 : i32
    %dma_wait3A_751 = arith.constant 0 : i32
    %dma_wait3A_752 = tpu.memref_slice %arg7[%dma_wait3A_750, %dma_wait3A_751] : memref<8x128xf32, #tpu.memory_space<vmem>> -> memref<1x128xf32, #tpu.memory_space<vmem>>
    %dma_wait3A_753 = tpu.memref_squeeze %dma_wait3A_752 : memref<1x128xf32, #tpu.memory_space<vmem>> -> memref<128xf32, #tpu.memory_space<vmem>>
    %dma_wait3A_754 = arith.constant 0 : i32
    %dma_wait3A_755 = tpu.memref_slice %arg6[%dma_wait3A_749, %dma_wait3A_754] : memref<8x128xi32, #tpu.memory_space<vmem>> -> memref<1x128xi32, #tpu.memory_space<vmem>>
    %dma_wait3A_756 = tpu.memref_squeeze %dma_wait3A_755 : memref<1x128xi32, #tpu.memory_space<vmem>> -> memref<128xi32, #tpu.memory_space<vmem>>
    %dma_wait3A_757 = arith.constant 0 : i32
    %dma_wait3A_758 = tpu.memref_slice %arg2[%dma_wait3A_757] : memref<33554432xf32, #tpu.memory_space<hbm>> -> memref<33554432xf32, #tpu.memory_space<hbm>>
    tpu.wait_indirect_dma semaphore(%arg8 : memref<!tpu.dma_semaphore, #tpu.memory_space<semaphore_mem>>) src(%dma_wait3A_758 : memref<33554432xf32, #tpu.memory_space<hbm>>) dst(%dma_wait3A_753 : memref<128xf32, #tpu.memory_space<vmem>>)
    %dma_wait3A_759 = arith.constant 6 : i32
    %dma_wait3A_760 = arith.constant 6 : i32
    %dma_wait3A_761 = arith.constant 0 : i32
    %dma_wait3A_762 = tpu.memref_slice %arg7[%dma_wait3A_760, %dma_wait3A_761] : memref<8x128xf32, #tpu.memory_space<vmem>> -> memref<1x128xf32, #tpu.memory_space<vmem>>
    %dma_wait3A_763 = tpu.memref_squeeze %dma_wait3A_762 : memref<1x128xf32, #tpu.memory_space<vmem>> -> memref<128xf32, #tpu.memory_space<vmem>>
    %dma_wait3A_764 = arith.constant 0 : i32
    %dma_wait3A_765 = tpu.memref_slice %arg6[%dma_wait3A_759, %dma_wait3A_764] : memref<8x128xi32, #tpu.memory_space<vmem>> -> memref<1x128xi32, #tpu.memory_space<vmem>>
    %dma_wait3A_766 = tpu.memref_squeeze %dma_wait3A_765 : memref<1x128xi32, #tpu.memory_space<vmem>> -> memref<128xi32, #tpu.memory_space<vmem>>
    %dma_wait3A_767 = arith.constant 0 : i32
    %dma_wait3A_768 = tpu.memref_slice %arg2[%dma_wait3A_767] : memref<33554432xf32, #tpu.memory_space<hbm>> -> memref<33554432xf32, #tpu.memory_space<hbm>>
    tpu.wait_indirect_dma semaphore(%arg8 : memref<!tpu.dma_semaphore, #tpu.memory_space<semaphore_mem>>) src(%dma_wait3A_768 : memref<33554432xf32, #tpu.memory_space<hbm>>) dst(%dma_wait3A_763 : memref<128xf32, #tpu.memory_space<vmem>>)
    %dma_wait3A_769 = arith.constant 7 : i32
    %dma_wait3A_770 = arith.constant 7 : i32
    %dma_wait3A_771 = arith.constant 0 : i32
    %dma_wait3A_772 = tpu.memref_slice %arg7[%dma_wait3A_770, %dma_wait3A_771] : memref<8x128xf32, #tpu.memory_space<vmem>> -> memref<1x128xf32, #tpu.memory_space<vmem>>
    %dma_wait3A_773 = tpu.memref_squeeze %dma_wait3A_772 : memref<1x128xf32, #tpu.memory_space<vmem>> -> memref<128xf32, #tpu.memory_space<vmem>>
    %dma_wait3A_774 = arith.constant 0 : i32
    %dma_wait3A_775 = tpu.memref_slice %arg6[%dma_wait3A_769, %dma_wait3A_774] : memref<8x128xi32, #tpu.memory_space<vmem>> -> memref<1x128xi32, #tpu.memory_space<vmem>>
    %dma_wait3A_776 = tpu.memref_squeeze %dma_wait3A_775 : memref<1x128xi32, #tpu.memory_space<vmem>> -> memref<128xi32, #tpu.memory_space<vmem>>
    %dma_wait3A_777 = arith.constant 0 : i32
    %dma_wait3A_778 = tpu.memref_slice %arg2[%dma_wait3A_777] : memref<33554432xf32, #tpu.memory_space<hbm>> -> memref<33554432xf32, #tpu.memory_space<hbm>>
    tpu.wait_indirect_dma semaphore(%arg8 : memref<!tpu.dma_semaphore, #tpu.memory_space<semaphore_mem>>) src(%dma_wait3A_778 : memref<33554432xf32, #tpu.memory_space<hbm>>) dst(%dma_wait3A_773 : memref<128xf32, #tpu.memory_space<vmem>>)
    "tpu.region"() ({
      %run_scoped3A = tpu.sem_alloc : memref<!tpu.dma_semaphore, #tpu.memory_space<semaphore_mem>>
      %dma_start3A_779 = arith.constant 0 : i32
      %dma_start3A_780 = arith.constant 0 : i32
      %dma_start3A_781 = tpu.memref_slice %arg4[%add3A, %dma_start3A_779, %dma_start3A_780] : memref<32x8x128xf32, #tpu.memory_space<hbm>> -> memref<1x8x128xf32, #tpu.memory_space<hbm>>
      %dma_start3A_782 = tpu.memref_squeeze %dma_start3A_781 : memref<1x8x128xf32, #tpu.memory_space<hbm>> -> memref<8x128xf32, #tpu.memory_space<hbm>>
      %dma_start3A_783 = arith.constant 0 : i32
      %dma_start3A_784 = arith.constant 0 : i32
      %dma_start3A_785 = tpu.memref_slice %arg4[%add3A, %dma_start3A_783, %dma_start3A_784] : memref<32x8x128xf32, #tpu.memory_space<hbm>> -> memref<1x8x128xf32, #tpu.memory_space<hbm>>
      %dma_start3A_786 = tpu.memref_squeeze %dma_start3A_785 : memref<1x8x128xf32, #tpu.memory_space<hbm>> -> memref<8x128xf32, #tpu.memory_space<hbm>>
      tpu.enqueue_dma source(%arg7 : memref<8x128xf32, #tpu.memory_space<vmem>>) target(%dma_start3A_786 : memref<8x128xf32, #tpu.memory_space<hbm>>) target_semaphore(%run_scoped3A : memref<!tpu.dma_semaphore, #tpu.memory_space<semaphore_mem>>)
      %dma_wait3A_787 = arith.constant 0 : i32
      %dma_wait3A_788 = arith.constant 0 : i32
      %dma_wait3A_789 = tpu.memref_slice %arg4[%add3A, %dma_wait3A_787, %dma_wait3A_788] : memref<32x8x128xf32, #tpu.memory_space<hbm>> -> memref<1x8x128xf32, #tpu.memory_space<hbm>>
      %dma_wait3A_790 = tpu.memref_squeeze %dma_wait3A_789 : memref<1x8x128xf32, #tpu.memory_space<hbm>> -> memref<8x128xf32, #tpu.memory_space<hbm>>
      %dma_wait3A_791 = arith.constant 0 : i32
      %dma_wait3A_792 = arith.constant 0 : i32
      %dma_wait3A_793 = tpu.memref_slice %arg4[%add3A, %dma_wait3A_791, %dma_wait3A_792] : memref<32x8x128xf32, #tpu.memory_space<hbm>> -> memref<1x8x128xf32, #tpu.memory_space<hbm>>
      %dma_wait3A_794 = tpu.memref_squeeze %dma_wait3A_793 : memref<1x8x128xf32, #tpu.memory_space<hbm>> -> memref<8x128xf32, #tpu.memory_space<hbm>>
      tpu.wait_dma2 semaphore(%run_scoped3A : memref<!tpu.dma_semaphore, #tpu.memory_space<semaphore_mem>>) src(%arg7 : memref<8x128xf32, #tpu.memory_space<vmem>>) dst(%dma_wait3A_794 : memref<8x128xf32, #tpu.memory_space<hbm>>)
      tpu.yield
    }) : () -> ()
    return
  }
}

</mosaic_0001>

<sc_bundles>
// kernel: kernel.3.cloned.1.call-start
scs
__scs_entry_jumppad:
0x0: {  	(pc) =	sbr.rel $0x88, $3  }
0x1: {  	(tag) =	ssettag $0x0;
	lr =	simm.s32 $0x1  }
0x2: {  	[smem:$0x3F9F] =	sst lr;
	_ =	strace $0xD0000000  }
0x3: {  	_ = 	snop  }
0x4: {  	_ = 	snop  }
0x5: {  	_ = 	snop  }
0x6: {  	_ = 	snop  }
0x7: {  	_ = 	snop  }
__scs_overlays_trampoline_lowered:
0x8: {  	[smem:$0x3FAE] =	sst s0  }
0x9: {  	[smem:$0x3FAF] =	sst s1  }
0xa: {  	[smem:$0x3FB0] =	sst s2  }
0xb: {  	[smem:$0x3FB1] =	sst s3  }
0xc: {  	[smem:$0x3FB2] =	sst s4  }
0xd: {  	[smem:$0x3FB3] =	sst s5  }
0xe: {  	[smem:$0x3FB4] =	sst s6  }
0xf: {  	[smem:$0x3FB5] =	sst s7  }
0x10: {  	[smem:$0x3FB6] =	sst s8  }
0x11: {  	[smem:$0x3FB7] =	sst s9;
	s0 =	simm.s32 @!p0 $0x0  }
0x12: {  	s1 =	sld [smem:$0x3F9D];
	s0 =	simm.s32 @p0 $0x1  }
0x13: {  	[smem:$0x3FB8] =	sst s0;
	s0 =	simm.s32 @!p1 $0x0  }
0x14: {  	s2 =	sld [smem:$0x3F9C];
	s0 =	simm.s32 @p1 $0x1  }
0x15: {  	[smem:$0x3FB9] =	sst s0;
	s0 =	simm.s32 @!p2 $0x0  }
0x16: {  	s3 =	sld [smem:$0x3FDB];
	s0 =	simm.s32 @p2 $0x1  }
0x17: {  	s4 =	simm.s32 $0x1BF5;
	[smem:$0x3FBB] =	sst s0  }
0x18: {  	s0 =	sld [smem:$0x3F9E];
	_ =	swait.ge [sflag:s4], $0x0  }
0x19: {  	s7 =	sld [smem:$0x3F9F]  }
0x1a: {  	s8 =	sadd.s32 $0xFFFFE003, lr  }
0x1b: {  	s9 =	sadd.s32 $0xFFFFFEF7, lr;
	s5 =	simm.s32 $0xFFFFFFFF;
	p2 =	slt.u32 s8, $0xFFFFF086  }
0x1c: {  	p1 =	slt.u32 s9, $0xF7A;
	s5 =	simm.s32 @!p2 $0x0  }
0x1d: {  	s5 =	simm.s32 @p1 $0x1;
	p0 =	seq.s32 s7, s2  }
0x1e: {  	s7 =	smul.u32 @!p0 $0xF7A, s2;
	p2 =	seq.s32 @!p0 s5, $0x0  }
0x1f: {  	s9 =	smul.u32 $0xF7A, s1;
	s8 =	simm.s32 @!p0 $0x1BF5;
	p2 =	por !p2, p0  }
0x20: {  	[sflag:s8] =	ssyncset.s32 @!p0 $0xFFFFF086;
	s6 =	sadd.s32 @!p0 s3, s7;
	s7 =	simm.s32 @!p0 $0x108  }
0x21: {  	s3 =	sadd.s32 s3, s9;
	s6 =	sadd.s32 @!p0 $0x88, s6;
	s7 =	simm.s32 @p2 $0x1082  }
0x22: {  	[simem:s7], [sflag:s8] =	dma.local @!p0 [hbm:s6], $0xF7A  }
0x23: {  	s9 =	sor.u32 $0xD0000000, s2;
	s6 =	simm.s32 $0x108;
	_ =	swait.ge @!p0 [sflag:s8], $0x0  }
0x24: {  	s3 =	sadd.s32 $0x88, s3;
	s6 =	simm.s32 @!p1 $0x1082;
	[sflag:s4] =	ssyncset.s32 $0xFFFFF086  }
0x25: {  	[simem:s6], [sflag:s4] =	dma.local [hbm:s3], $0xF7A  }
0x26: {  	[smem:$0x3F9F] =	sst s1;
	(tag) =	ssettag s2;
	_ =	strace s9  }
0x27: {  	s1 =	sld [smem:$0x3FAF]  }
0x28: {  	s2 =	sld [smem:$0x3FB0]  }
0x29: {  	s4 =	sld [smem:$0x3FB2]  }
0x2a: {  	p0 =	seq.s32 s5, $0x0;
	s5 =	sld [smem:$0x3FB3]  }
0x2b: {  	s6 =	sld [smem:$0x3FB4]  }
0x2c: {  	s7 =	sld [smem:$0x3FB5]  }
0x2d: {  	s3 =	simm.s32 $0x108;
	s8 =	sld [smem:$0x3FB6]  }
0x2e: {  	s3 =	simm.s32 @!p0 $0x1082;
	s9 =	sld [smem:$0x3FB7]  }
0x2f: {  	lr =	sadd.s32 s0, s3;
	s0 =	sld [smem:$0x3FAE]  }
0x30: {  	s3 =	sld [smem:$0x3FB1]  }
0x31: {  	[smem:$0x3FBA] =	sst s10  }
0x32: {  	s10 =	sld [smem:$0x3FB8];
	_ =	sdelay $0x3  }
0x33: {  	p0 =	seq.s32 s10, $0x1;
	s10 =	sld [smem:$0x3FBA];
	_ =	sdelay $0x3  }
0x34: {  	[smem:$0x3FBA] =	sst s10  }
0x35: {  	s10 =	sld [smem:$0x3FB9];
	_ =	sdelay $0x3  }
0x36: {  	p1 =	seq.s32 s10, $0x1;
	s10 =	sld [smem:$0x3FBA];
	_ =	sdelay $0x3  }
0x37: {  	[smem:$0x3FBA] =	sst s10  }
0x38: {  	s10 =	sld [smem:$0x3FBB]  }
0x39: {  	_ = 	snop;
	(pc) =	sbr.ind lr, $3  }
0x3a: {  	_ = 	snop  }
0x3b: {  	_ = 	snop  }
0x3c: {  	p2 =	seq.s32 s10, $0x1;
	s10 =	sld [smem:$0x3FBA]  }
0x3d: {  	_ =	shalt  }
0x3e: {  	_ =	shalt  }
0x3f: {  	_ =	shalt  }
0x40: {  	_ =	shalt  }
0x41: {  	_ =	shalt  }
0x42: {  	_ =	shalt  }
0x43: {  	_ =	shalt  }
0x44: {  	_ =	shalt  }
0x45: {  	_ =	shalt  }
0x46: {  	_ =	shalt  }
0x47: {  	_ =	shalt  }
0x48: {  	_ =	shalt  }
0x49: {  	_ =	shalt  }
0x4a: {  	_ =	shalt  }
0x4b: {  	_ =	shalt  }
0x4c: {  	_ =	shalt  }
0x4d: {  	_ =	shalt  }
0x4e: {  	_ =	shalt  }
0x4f: {  	_ =	shalt  }
0x50: {  	_ =	shalt  }
0x51: {  	_ =	shalt  }
0x52: {  	_ =	shalt  }
0x53: {  	_ =	shalt  }
0x54: {  	_ =	shalt  }
0x55: {  	_ =	shalt  }
0x56: {  	_ =	shalt  }
0x57: {  	_ =	shalt  }
0x58: {  	_ =	shalt  }
0x59: {  	_ =	shalt  }
0x5a: {  	_ =	shalt  }
0x5b: {  	_ =	shalt  }
0x5c: {  	_ =	shalt  }
0x5d: {  	_ =	shalt  }
0x5e: {  	_ =	shalt  }
0x5f: {  	_ =	shalt  }
0x60: {  	_ =	shalt  }
0x61: {  	_ =	shalt  }
0x62: {  	_ =	shalt  }
0x63: {  	_ =	shalt  }
0x64: {  	_ =	shalt  }
0x65: {  	_ =	shalt  }
0x66: {  	_ =	shalt  }
0x67: {  	_ =	shalt  }
0x68: {  	_ =	shalt  }
0x69: {  	_ =	shalt  }
0x6a: {  	_ =	shalt  }
0x6b: {  	_ =	shalt  }
0x6c: {  	_ =	shalt  }
0x6d: {  	_ =	shalt  }
0x6e: {  	_ =	shalt  }
0x6f: {  	_ =	shalt  }
0x70: {  	_ =	shalt  }
0x71: {  	_ =	shalt  }
0x72: {  	_ =	shalt  }
0x73: {  	_ =	shalt  }
0x74: {  	_ =	shalt  }
0x75: {  	_ =	shalt  }
0x76: {  	_ =	shalt  }
0x77: {  	_ =	shalt  }
0x78: {  	_ =	shalt  }
0x79: {  	_ =	shalt  }
0x7a: {  	_ =	shalt  }
0x7b: {  	_ =	shalt  }
0x7c: {  	_ =	shalt  }
0x7d: {  	_ =	shalt  }
0x7e: {  	_ =	shalt  }
0x7f: {  	_ =	shalt  }
0x80: {  	_ =	shalt  }
0x81: {  	_ =	shalt  }
0x82: {  	_ =	shalt  }
0x83: {  	_ =	shalt  }
0x84: {  	_ =	shalt  }
0x85: {  	_ =	shalt  }
0x86: {  	_ =	shalt  }
0x87: {  	_ =	shalt  }
.Lfunc_end0:
.L_simem_size_0:
called_computation_lowered:
.L_overlay_start_0:
0x88: {  	s2 =	sld [smem:$0x3FD9]  }
0x89: {  	s3 =	sld [smem:$0x3FFE];
	_ =	sdelay $0x1  }
0x8a: {  	s1 =	srdreg.scid  }
0x8b: {  	s0 =	sand.u32 $0x1, s1  }
0x8c: {  	s18 =	sshll.u32 s0, $0xA;
	s2 =	sadd.s32 s3, s2  }
0x8d: {  	s2 =	sadd.s32 s2, s18  }
0x8e: {  	[smem:$0x3FC6] =	sst s2  }
0x8f: {  	_ = 	snop  }
0x90: {  	s2 =	sld [smem:$0x3FC9]  }
0x91: {  	s19 =	sld [smem:$0x3FC8]  }
0x92: {  	s4 =	sld [smem:$0x3FD0];
	(tm) =	ssettm $0x1  }
0x93: {  	s5 =	sld [smem:$0x3FFB];
	_ =	sdelay $0x3  }
0x94: {  	_ =	strace s5  }
0x95: {  	s5 =	sld [smem:$0x3FFC];
	_ =	sdelay $0x3  }
0x96: {  	_ =	strace s5  }
0x97: {  	s5 =	sld [smem:$0x3FFD];
	_ =	sdelay $0x3  }
0x98: {  	_ =	strace s5  }
0x99: {  	_ =	strace $0x8FFFFFFF  }
0x9a: {  	s20 =	sld [smem:$0x3FDB];
	_ =	sdelay $0x1  }
0x9b: {  	s6 =	simm.s32 $_scs_section_size  }
0x9c: {  	s7 =	simm.s32 $_size__tile_overlayer_lowered;
	s8 =	simm.s32 $_tile_overlayer_lowered  }
0x9d: {  	s23 =	simm.s32 $0x1BFF;
	s22 =	sshll.u32 s8, $0x1;
	s5 =	sadd.s32 s6, s20  }
0x9e: {  	s9 =	simm.s32 $0x0;
	s21 =	sshll.u32 s7, $0x1;
	s7 =	sadd.s32 s22, s5  }
0x9f: {  	[timem:s9], [sflag:s23] =	dma.local [hbm:s7], s21  }
0xa0: {  	_ =	swait.ge [sflag:s23], s21  }
0xa1: {  	s6 =	ssub.s32 $0x0, s21;
	[sflag:s23] =	ssyncset.done $0x0  }
0xa2: {  	[sflag:s23] =	ssyncadd.s32 s6;
	_ =	sdelay $0x1  }
0xa3: {  	s24 =	simm.s32 $0x1B8B  }
0xa4: {  	_ =	swait.ge [sflag:s24], $0x1  }
0xa5: {  	[sflag:s24] =	ssyncset.done $0x0  }
0xa6: {  	s25 =	simm.s32 $0x1B8E;
	[sflag:s24] =	ssyncadd.s32 $0xFFFFFFFF  }
0xa7: {  	s26 =	simm.s32 $execute0_lowered;
	[smem:$0x3FD2] =	sst s25  }
0xa8: {  	s6 =	sshll.u32 s26, $0x1;
	_ =	strace $0x80000046;
	[dreg:$0x1] =	wrdreg $0xFFFFFFFF  }
0xa9: {  	s28 =	simm.s32 $_size_execute0_lowered;
	s5 =	sadd.s32 s5, s6;
	[dreg:$0x0] =	wrdreg $0x0  }
0xaa: {  	s6 =	sshll.u32 s28, $0x1;
	[dreg:$0x2] =	wrdreg s5  }
0xab: {  	[dreg:$0x3] =	wrdreg s6  }
0xac: {  	[dreg:$0x4] =	wrdreg $0xC0  }
0xad: {  	_ =	task [dreg:s9], $0x5FFFF  }
0xae: {  	[dreg:$0x1] =	wrdreg $0xFFFFFFFF  }
0xaf: {  	[dreg:$0x0] =	wrdreg $0x60  }
0xb0: {  	[dreg:$0x2] =	wrdreg s2  }
0xb1: {  	[dreg:$0x3] =	wrdreg s19  }
0xb2: {  	[dreg:$0x4] =	wrdreg s4  }
0xb3: {  	[dreg:$0x5] =	wrdreg $0x9  }
0xb4: {  	_ =	task.clear_ibuf [dreg:s9], $0x6FFFF;
	_ =	strace $0x90000046  }
0xb5: {  	s29 =	simm.s32 $0x9;
	_ =	strace $0x80000048  }
0xb6: {  	_ =	swait.ge [sflag:s29], $0x1  }
0xb7: {  	[sflag:s29] =	ssyncadd.s32 $0xFFFFFFFF  }
0xb8: {  	_ =	strace $0x90000048  }
0xb9: {  	_ =	sfence  }
0xba: {  	s30 =	sld [smem:$0x0];
	_ =	sdelay $0x2  }
0xbb: {  	s31 =	sshll.u32 s1, $0xD;
	s1 =	sshrl.u32 s1, $0x2  }
0xbc: {  	s3 =	sand.u32 $0x4000, s31;
	s1 =	sadd.s32 s1, s30  }
0xbd: {  	s0 =	sor.u32 s3, s0;
	s1 =	sshll.u32 s1, $0x11  }
0xbe: {  	s0 =	sor.u32 s1, s0  }
0xbf: {  	s0 =	sadd.s32 $0x8F2B, s0  }
0xc0: {  	[sflag:s0] =	ssyncadd.remote.s32 $0x1  }
0xc1: {  	_ =	sfence.sel $0xFFFF  }
0xc2: {  	[dreg:$0x0] =	wrdreg $0xFFFFFFFF;
	(pc) =	sbr.abs _section_cstart, $3  }
0xc3: {  	[dreg:$0x1] =	wrdreg $0xFFFFFFFF  }
0xc4: {  	_ =	task.clear_ibuf [dreg:s9], $0x2FFFF;
	_ =	strace $0x9FFFFFFF  }
0xc5: {  	(tm) =	ssettm $0x7FFFFFFF  }
tec
execute0_lowered:
.L_overlay_start_1:
0x0: {  	(tag) =	ssettag $0x1  }
0x1: {  	v0 =	vimm.s32 $0x4380;
	vm0 =	vcmask $0x300  }
0x2: {  	vm14 =	vcmask $0x704;
	v0 =	vsel vm0, $0x0, v0  }
0x3: {  	vm15 =	vcmask $0xB08;
	v0 =	vsel vm14, $0x80, v0  }
0x4: {  	s0 =	rddreg [dreg:$0x0];
	vm4 =	vcmask $0xF0C;
	v0 =	vsel vm15, $0x100, v0  }
0x5: {  	s1 =	rddreg [dreg:$0x1];
	vm5 =	vcmask $0x1310;
	v0 =	vsel vm4, $0x180, v0  }
0x6: {  	s5 =	rddreg [dreg:$0x2];
	s4 =	srdreg.scid;
	vm6 =	vcmask $0x1714;
	v0 =	vsel vm5, $0x200, v0  }
0x7: {  	s2 =	rddreg [dreg:$0x3];
	s3 =	stileid.u32;
	vm7 =	vcmask $0x1B18;
	s10 =	simm.s32 $0x100;
	v0 =	vsel vm6, $0x280, v0  }
0x8: {  	vm8 =	vcmask $0x1F1C;
	s11 =	simm.s32 $0x500;
	s12 =	simm.s32 $0x180;
	s13 =	simm.s32 $0x580;
	v0 =	vsel vm7, $0x300, v0  }
0x9: {  	vm9 =	vcmask $0x2320;
	s14 =	simm.s32 $0x200;
	s15 =	simm.s32 $0x600;
	s16 =	simm.s32 $0x280;
	v0 =	vsel vm8, $0x380, v0  }
0xa: {  	vm10 =	vcmask $0x2724;
	s17 =	simm.s32 $0x680;
	s18 =	simm.s32 $0x300;
	s19 =	simm.s32 $0x700;
	v0 =	vsel vm9, $0x4000, v0  }
0xb: {  	vm11 =	vcmask $0x2B28;
	s20 =	simm.s32 $0x380;
	s21 =	simm.s32 $0x780;
	s23 =	simm.s32 $0x800;
	v0 =	vsel vm10, $0x4080, v0  }
0xc: {  	vm12 =	vcmask $0x2F2C;
	s24 =	simm.s32 $0x1;
	s6 =	sand.u32 $0x1, s4;
	s4 =	simm.s32 $0x0;
	v0 =	vsel vm11, $0x4100, v0  }
0xd: {  	vm13 =	vcmask $0x3330;
	s8 =	sshll.u32 s3, $0x1;
	s7 =	ssub.s32 $0x2, s6;
	[smem:$0x7FF] =	sst s4;
	v0 =	vsel vm12, $0x4180, v0  }
0xe: {  	s6 =	sor.u32 s6, s8;
	vm14 =	vcmask $0x3734;
	s9 =	sshrl.u32 s7, $0x1;
	_ =	strace $0x80000047;
	v0 =	vsel vm13, $0x4200, v0  }
0xf: {  	s8 =	sshll.u32 s6, $0x7;
	s22 =	sshll.u32 s6, $0x14;
	vm15 =	vcmask $0x3B38;
	s7 =	ssub.s32 s7, s9;
	v0 =	vsel vm14, $0x4280, v0  }
0x10: {  	s5 =	sadd.s32 s5, s8;
	s8 =	simm.s32 $0x80;
	s9 =	simm.s32 $0x480;
	v0 =	vsel vm15, $0x4300, v0  }
0x11: {  	v1 =	vimm.s32 $0x0;
	v2 =	vimm.s32 $0x1;
	s6 =	smax.u32 s7, $0x1;
	s7 =	simm.s32 $0x2;
	v0 =	vor.u32 s22, v0;
	s22 =	simm.s32 $0x400  }
.LBB2_1:
0x12: {  	[tilespmem:s4], [sflag:$0x2] =	stream.linear.gather [hbm4b:s1+s4], $0x2, $0x38;
	[tilespmem:$0x880] =	vst v63  }
0x13: {  	_ =	swait.ge [sflag:s7], $0x2  }
0x14: {  	[sflag:s7] =	ssyncset.done $0x0  }
0x15: {  	[sflag:s7] =	ssyncadd.s32 $0xFFFFFFFE  }
0x16: {  	v3 =	vld [tilespmem:$0x0];
	_ =	sdelay $0x4  }
0x17: {  	v4 =	vshll.u32 v3, $0x3  }
0x18: {  	v3 =	vand.u32 $0x7F, v3;
	v4 =	vand.u32 $0xFFFFFC00, v4  }
0x19: {  	v3 =	vor.u32 v3, v4  }
0x1a: {  	v4 =	vperm.xlane v3, v1;
	_ =	sdelay $0x1  }
0x1b: {  	v4 =	vadd.s32 v4, v0  }
0x1c: {  	[tilespmem:$0x80] =	vst v4;
	v5 =	vadd.s32 $0x8000, v4  }
0x1d: {  	v61 =	vadd.s32 $0x10000, v4;
	[tilespmem:$0x90] =	vst v5  }
0x1e: {  	v62 =	vadd.s32 $0x18000, v4;
	[tilespmem:$0xA0] =	vst v61  }
0x1f: {  	v63 =	vadd.s32 $0x20000, v4;
	[tilespmem:$0xB0] =	vst v62  }
0x20: {  	v8 =	vadd.s32 $0x28000, v4;
	[tilespmem:$0xC0] =	vst v63  }
0x21: {  	v9 =	vadd.s32 $0x30000, v4;
	[tilespmem:$0xD0] =	vst v8  }
0x22: {  	v3 =	vperm.xlane v3, v2;
	v10 =	vadd.s32 $0x38000, v4;
	[tilespmem:$0xE0] =	vst v9  }
0x23: {  	[tilespmem:$0xF0] =	vst v10  }
0x24: {  	v3 =	vadd.s32 v3, v0;
	[tilespmem:s9], [sflag:$0x1] =	stream.indirect.gather [hbm4b:s0+s8], $0x1, s8, s8, $0xb8;
	[tilespmem:$0x880] =	vst v63  }
0x25: {  	v11 =	vadd.s32 $0x8000, v3;
	[tilespmem:$0x100] =	vst v3  }
0x26: {  	v12 =	vadd.s32 $0x10000, v3;
	[tilespmem:$0x110] =	vst v11  }
0x27: {  	v13 =	vadd.s32 $0x18000, v3;
	[tilespmem:$0x120] =	vst v12  }
0x28: {  	v14 =	vadd.s32 $0x20000, v3;
	[tilespmem:$0x130] =	vst v13  }
0x29: {  	v15 =	vadd.s32 $0x28000, v3;
	[tilespmem:$0x140] =	vst v14  }
0x2a: {  	v16 =	vadd.s32 $0x30000, v3;
	[tilespmem:$0x150] =	vst v15  }
0x2b: {  	v17 =	vadd.s32 $0x38000, v3;
	[tilespmem:$0x160] =	vst v16  }
0x2c: {  	[tilespmem:$0x170] =	vst v17  }
0x2d: {  	v18 =	vadd.s32 $0x40000, v4;
	[tilespmem:s11], [sflag:$0x1] =	stream.indirect.gather [hbm4b:s0+s8], $0x1, s10, s8, $0xb8;
	[tilespmem:$0x880] =	vst v63  }
0x2e: {  	v19 =	vadd.s32 $0x48000, v4;
	[tilespmem:$0x180] =	vst v18  }
0x2f: {  	v20 =	vadd.s32 $0x50000, v4;
	[tilespmem:$0x190] =	vst v19  }
0x30: {  	v21 =	vadd.s32 $0x58000, v4;
	[tilespmem:$0x1A0] =	vst v20  }
0x31: {  	v22 =	vadd.s32 $0x60000, v4;
	[tilespmem:$0x1B0] =	vst v21  }
0x32: {  	v23 =	vadd.s32 $0x68000, v4;
	[tilespmem:$0x1C0] =	vst v22  }
0x33: {  	v24 =	vadd.s32 $0x70000, v4;
	[tilespmem:$0x1D0] =	vst v23  }
0x34: {  	v25 =	vadd.s32 $0x78000, v4;
	[tilespmem:$0x1E0] =	vst v24  }
0x35: {  	[tilespmem:$0x1F0] =	vst v25  }
0x36: {  	v26 =	vadd.s32 $0x40000, v3;
	[tilespmem:s13], [sflag:$0x1] =	stream.indirect.gather [hbm4b:s0+s8], $0x1, s12, s8, $0xb8;
	[tilespmem:$0x880] =	vst v63  }
0x37: {  	v27 =	vadd.s32 $0x48000, v3;
	[tilespmem:$0x200] =	vst v26  }
0x38: {  	v28 =	vadd.s32 $0x50000, v3;
	[tilespmem:$0x210] =	vst v27  }
0x39: {  	v29 =	vadd.s32 $0x58000, v3;
	[tilespmem:$0x220] =	vst v28  }
0x3a: {  	v30 =	vadd.s32 $0x60000, v3;
	[tilespmem:$0x230] =	vst v29  }
0x3b: {  	v31 =	vadd.s32 $0x68000, v3;
	[tilespmem:$0x240] =	vst v30  }
0x3c: {  	v32 =	vadd.s32 $0x70000, v3;
	[tilespmem:$0x250] =	vst v31  }
0x3d: {  	v33 =	vadd.s32 $0x78000, v3;
	[tilespmem:$0x260] =	vst v32  }
0x3e: {  	[tilespmem:$0x270] =	vst v33  }
0x3f: {  	v34 =	vadd.s32 $0x80000, v4;
	[tilespmem:s15], [sflag:$0x1] =	stream.indirect.gather [hbm4b:s0+s8], $0x1, s14, s8, $0xb8;
	[tilespmem:$0x880] =	vst v63  }
0x40: {  	v35 =	vadd.s32 $0x88000, v4;
	[tilespmem:$0x280] =	vst v34  }
0x41: {  	v36 =	vadd.s32 $0x90000, v4;
	[tilespmem:$0x290] =	vst v35  }
0x42: {  	v37 =	vadd.s32 $0x98000, v4;
	[tilespmem:$0x2A0] =	vst v36  }
0x43: {  	v38 =	vadd.s32 $0xA0000, v4;
	[tilespmem:$0x2B0] =	vst v37  }
0x44: {  	v39 =	vadd.s32 $0xA8000, v4;
	[tilespmem:$0x2C0] =	vst v38  }
0x45: {  	v40 =	vadd.s32 $0xB0000, v4;
	[tilespmem:$0x2D0] =	vst v39  }
0x46: {  	v41 =	vadd.s32 $0xB8000, v4;
	[tilespmem:$0x2E0] =	vst v40  }
0x47: {  	[tilespmem:$0x2F0] =	vst v41  }
0x48: {  	v42 =	vadd.s32 $0x80000, v3;
	[tilespmem:s17], [sflag:$0x1] =	stream.indirect.gather [hbm4b:s0+s8], $0x1, s16, s8, $0xb8;
	[tilespmem:$0x880] =	vst v63  }
0x49: {  	v43 =	vadd.s32 $0x88000, v3;
	[tilespmem:$0x300] =	vst v42  }
0x4a: {  	v44 =	vadd.s32 $0x90000, v3;
	[tilespmem:$0x310] =	vst v43  }
0x4b: {  	v45 =	vadd.s32 $0x98000, v3;
	[tilespmem:$0x320] =	vst v44  }
0x4c: {  	v46 =	vadd.s32 $0xA0000, v3;
	[tilespmem:$0x330] =	vst v45  }
0x4d: {  	v47 =	vadd.s32 $0xA8000, v3;
	[tilespmem:$0x340] =	vst v46  }
0x4e: {  	v48 =	vadd.s32 $0xB0000, v3;
	[tilespmem:$0x350] =	vst v47  }
0x4f: {  	v49 =	vadd.s32 $0xB8000, v3;
	[tilespmem:$0x360] =	vst v48  }
0x50: {  	[tilespmem:$0x370] =	vst v49  }
0x51: {  	v50 =	vadd.s32 $0xC0000, v4;
	[tilespmem:s19], [sflag:$0x1] =	stream.indirect.gather [hbm4b:s0+s8], $0x1, s18, s8, $0xb8;
	[tilespmem:$0x880] =	vst v63  }
0x52: {  	v51 =	vadd.s32 $0xC8000, v4;
	[tilespmem:$0x380] =	vst v50  }
0x53: {  	v52 =	vadd.s32 $0xD0000, v4;
	[tilespmem:$0x390] =	vst v51  }
0x54: {  	v53 =	vadd.s32 $0xD8000, v4;
	[tilespmem:$0x3A0] =	vst v52  }
0x55: {  	v54 =	vadd.s32 $0xE0000, v4;
	[tilespmem:$0x3B0] =	vst v53  }
0x56: {  	v55 =	vadd.s32 $0xE8000, v4;
	[tilespmem:$0x3C0] =	vst v54  }
0x57: {  	v56 =	vadd.s32 $0xF0000, v4;
	[tilespmem:$0x3D0] =	vst v55  }
0x58: {  	v4 =	vadd.s32 $0xF8000, v4;
	[tilespmem:$0x3E0] =	vst v56  }
0x59: {  	[tilespmem:$0x3F0] =	vst v4  }
0x5a: {  	v57 =	vadd.s32 $0xC0000, v3;
	[tilespmem:s21], [sflag:$0x1] =	stream.indirect.gather [hbm4b:s0+s8], $0x1, s20, s8, $0xb8;
	[tilespmem:$0x880] =	vst v63  }
0x5b: {  	v58 =	vadd.s32 $0xC8000, v3;
	[tilespmem:$0x400] =	vst v57  }
0x5c: {  	v59 =	vadd.s32 $0xD0000, v3;
	[tilespmem:$0x410] =	vst v58  }
0x5d: {  	v60 =	vadd.s32 $0xD8000, v3;
	[tilespmem:$0x420] =	vst v59  }
0x5e: {  	v61 =	vadd.s32 $0xE0000, v3;
	[tilespmem:$0x430] =	vst v60  }
0x5f: {  	v62 =	vadd.s32 $0xE8000, v3;
	[tilespmem:$0x440] =	vst v61  }
0x60: {  	v63 =	vadd.s32 $0xF0000, v3;
	[tilespmem:$0x450] =	vst v62  }
0x61: {  	v3 =	vadd.s32 $0xF8000, v3;
	[tilespmem:$0x460] =	vst v63  }
0x62: {  	[tilespmem:$0x470] =	vst v3  }
0x63: {  	[tilespmem:s23], [sflag:$0x1] =	stream.indirect.gather [hbm4b:s0+s8], $0x1, s22, s8, $0xb8;
	[tilespmem:$0x880] =	vst v63  }
0x64: {  	_ =	swait.ge [sflag:s24], $0x80  }
0x65: {  	[sflag:s24] =	ssyncset.done $0x0  }
0x66: {  	[sflag:s24] =	ssyncadd.s32 $0xFFFFFF80  }
0x67: {  	_ =	swait.ge [sflag:s24], $0x80  }
0x68: {  	[sflag:s24] =	ssyncset.done $0x0  }
0x69: {  	[sflag:s24] =	ssyncadd.s32 $0xFFFFFF80  }
0x6a: {  	_ =	swait.ge [sflag:s24], $0x80  }
0x6b: {  	[sflag:s24] =	ssyncset.done $0x0  }
0x6c: {  	[sflag:s24] =	ssyncadd.s32 $0xFFFFFF80  }
0x6d: {  	_ =	swait.ge [sflag:s24], $0x80  }
0x6e: {  	[sflag:s24] =	ssyncset.done $0x0  }
0x6f: {  	[sflag:s24] =	ssyncadd.s32 $0xFFFFFF80  }
0x70: {  	_ =	swait.ge [sflag:s24], $0x80  }
0x71: {  	[sflag:s24] =	ssyncset.done $0x0  }
0x72: {  	[sflag:s24] =	ssyncadd.s32 $0xFFFFFF80  }
0x73: {  	_ =	swait.ge [sflag:s24], $0x80  }
0x74: {  	[sflag:s24] =	ssyncset.done $0x0  }
0x75: {  	[sflag:s24] =	ssyncadd.s32 $0xFFFFFF80  }
0x76: {  	_ =	swait.ge [sflag:s24], $0x80  }
0x77: {  	[sflag:s24] =	ssyncset.done $0x0  }
0x78: {  	[sflag:s24] =	ssyncadd.s32 $0xFFFFFF80  }
0x79: {  	_ =	swait.ge [sflag:s24], $0x80  }
0x7a: {  	p0 =	sne.s32 s6, $0x1;
	[sflag:s24] =	ssyncset.done $0x0  }
.Ltmp0:
0x7b: {  	[sflag:s24] =	ssyncadd.s32 $0xFFFFFF80;
	(pc) =	sbr.rel @p0 .LBB2_1-.Ltmp0, $4  }
0x7c: {  	[hbm4b:s5+s4] =	stream.linear.scatter [tilespmem:s9], [sflag:$0x2], $0x400, $0x38;
	[tilespmem:$0x880] =	vst v63  }
0x7d: {  	_ =	swait.ge [sflag:s7], $0x400  }
0x7e: {  	[sflag:s7] =	ssyncset.done $0x0  }
0x7f: {  	s6 =	sadd.s32 $0xFFFFFFFF, s6;
	[sflag:s7] =	ssyncadd.s32 $0xFFFFFC00  }
0x80: {  	_ =	sfence.sel $0x180000  }
0x81: {  	[bflag:$0x0] =	sbarrier.arrive $0xFFFF  }
0x82: {  	p0 =	sne.s32 s3, $0x0;
	_ =	strace $0x90000047  }
0x83: {  	s0 =	sadd.s32 @!p0 $0x100000, s2;
	[bflag:$0x2] =	sbarrier.arrive $0xFFFF  }
0x84: {  	[sflag:s0] =	ssyncadd.tile.s32 @!p0 $0x1;
	_ =	shalt  }
.Lfunc_end2:
_tile_overlayer_lowered:
.L_overlay_start_2:
0x85: {  	(tag) =	ssettag $0x2  }
0x86: {  	s0 =	rddreg [dreg:$0x0];
	s2 =	stileid.u32  }
0x87: {  	s1 =	rddreg [dreg:$0x1];
	p0 =	sne.s32 s2, $0x0  }
0x88: {  	s3 =	rddreg [dreg:$0x2];
	[bflag:$0x3] =	sbarrier.arrive $0xFFFF;
	s2 =	simm.s32 @!p0 $0x1C02  }
0x89: {  	[timem:s3], [sflag:s2] =	dma.local @!p0 [hbm:s0], s1  }
0x8a: {  	s0 =	simm.s32 @!p0 $0x2  }
0x8b: {  	_ =	swait.ge @!p0 [sflag:s0], s1  }
0x8c: {  	s1 =	ssub.s32 @!p0 $0x0, s1;
	[sflag:s0] =	ssyncset.done @!p0 $0x0  }
0x8d: {  	[sflag:s0] =	ssyncadd.s32 @!p0 s1  }
0x8e: {  	[bflag:$0x3] =	sbarrier.arrive $0xFFFF  }
0x8f: {  	_ =	shalt  }

</sc_bundles>
